<compile_context>
chip_gen: v7x
topology: tpu7x:2x2x1
jax: 0.10.2.dev20260603
libtpu: 0.0.44.dev20260713+nightly
codegen_flags: <defaults>
</compile_context>

<pallas_src>
import functools

import jax
import jax.numpy as jnp
from jax import lax
from jax.experimental import pallas as pl
from jax.experimental.pallas import tpu as pltpu
from jax.experimental.pallas import tpu_sc as plsc

_NUM_CODES = 8192
_DIM = 256
_NUM_TOKENS = 8192
_COMMITMENT_COST = 0.25


_BT1 = 512
_BC1 = 2048
_WIN = 4096
_PIECE = 512


def _enc_fused_body(x_ref, w_ref, idx_ref, enc_ref, perp_ref,
                    idx_s, counts_ref, acc_ref, w2_ref, d_ref):
    t = pl.program_id(0)
    c = pl.program_id(1)
    nt = pl.num_programs(0)
    nc = pl.num_programs(1)

    @pl.when((t == 0) & (c == 0))
    def _():
        for a in range(0, _NUM_CODES, _PIECE):
            wp = w_ref[a:a + _PIECE, :]
            w2_ref[0, a:a + _PIECE] = jnp.sum(wp * wp, axis=1)

    @pl.when(c == 0)
    def _():
        x = x_ref[...]
        xb = x.astype(jnp.bfloat16)
        x2 = jnp.sum(x * x, axis=1, keepdims=True)

        cur = jnp.full((_BT1,), jnp.inf, jnp.float32)
        idx = jnp.zeros((_BT1,), jnp.int32)
        colsf_base = lax.broadcasted_iota(
            jnp.int32, (_BT1, _PIECE), 1
        ).astype(jnp.float32)
        for w0 in range(0, _NUM_CODES, _WIN):
            m = None
            for a in range(w0, w0 + _WIN, _PIECE):
                wp = w_ref[a:a + _PIECE, :]
                w2 = w2_ref[0, a:a + _PIECE][None, :]
                xw = lax.dot_general(
                    xb,
                    wp.astype(jnp.bfloat16),
                    (((1,), (1,)), ((), ())),
                    preferred_element_type=jnp.float32,
                )
                dist = (x2 + w2) - 2.0 * xw
                d_ref[:, a - w0:a - w0 + _PIECE] = dist
                m = dist if m is None else jnp.minimum(m, dist)
            wv = jnp.min(m, axis=1)
            ci = None
            for a in range(w0, w0 + _WIN, _PIECE):
                dist = d_ref[:, a - w0:a - w0 + _PIECE]
                colsf = colsf_base + float(a)
                cand = jnp.where(
                    dist == wv[:, None], colsf, float(_NUM_CODES)
                )
                ci = cand if ci is None else jnp.minimum(ci, cand)
            widx = jnp.min(ci, axis=1).astype(jnp.int32)
            better = wv < cur
            tie = (wv == cur) & (widx < idx)
            idx = jnp.where(better | tie, widx, idx)
            cur = jnp.where(
                better, wv.astype(jnp.bfloat16).astype(jnp.float32), cur
            )
        idx_s[0, :] = idx
        idx_ref[0, 0, :] = idx

    idx = idx_s[0, :]
    codes = lax.broadcasted_iota(jnp.int32, (_BT1, _BC1), 1) + c * _BC1
    onehot = (idx[:, None] == codes).astype(jnp.float32)
    enc_ref[...] = onehot

    colsum = jnp.sum(onehot, axis=0, keepdims=True)

    @pl.when(t == 0)
    def _():
        counts_ref[:, pl.ds(c * _BC1, _BC1)] = colsum

    @pl.when(t > 0)
    def _():
        counts_ref[:, pl.ds(c * _BC1, _BC1)] += colsum

    @pl.when(t == nt - 1)
    def _():
        p = counts_ref[:, pl.ds(c * _BC1, _BC1)] * (1.0 / _NUM_TOKENS)
        ent = jnp.sum(p * jnp.log(p + 1e-10))

        @pl.when(c == 0)
        def _():
            acc_ref[0] = ent

        @pl.when(c > 0)
        def _():
            acc_ref[0] += ent

        @pl.when(c == nc - 1)
        def _():
            perp_ref[...] = jnp.full((1, 1), jnp.exp(-acc_ref[0]), jnp.float32)


def _indices_encodings_perplexity(flat_x, weight):
    grid = (_NUM_TOKENS // _BT1, _NUM_CODES // _BC1)
    idx3, enc, perp = pl.pallas_call(
        _enc_fused_body,
        grid=grid,
        in_specs=[
            pl.BlockSpec((_BT1, _DIM), lambda t, c: (t, 0)),
            pl.BlockSpec((_NUM_CODES, _DIM), lambda t, c: (0, 0)),
        ],
        out_specs=[
            pl.BlockSpec((1, 1, _BT1), lambda t, c: (t, 0, 0)),
            pl.BlockSpec((_BT1, _BC1), lambda t, c: (t, c)),
            pl.BlockSpec((1, 1), lambda t, c: (0, 0)),
        ],
        out_shape=[
            jax.ShapeDtypeStruct((_NUM_TOKENS // _BT1, 1, _BT1), jnp.int32),
            jax.ShapeDtypeStruct((_NUM_TOKENS, _NUM_CODES), jnp.float32),
            jax.ShapeDtypeStruct((1, 1), jnp.float32),
        ],
        scratch_shapes=[
            pltpu.VMEM((1, _BT1), jnp.int32),
            pltpu.VMEM((1, _NUM_CODES), jnp.float32),
            pltpu.SMEM((1,), jnp.float32),
            pltpu.VMEM((1, _NUM_CODES), jnp.float32),
            pltpu.VMEM((_BT1, _WIN), jnp.float32),
        ],
    )(flat_x, weight)
    return idx3, enc, perp



_NW = 32
_B_PER_W = _NUM_TOKENS // _NW
_CHUNK = 128


def _gather_body(w_hbm, idx_hbm, out_hbm, idx_v, rows_v, sem):
    wid = lax.axis_index("s") * 2 + lax.axis_index("c")
    base = wid * _B_PER_W
    pltpu.sync_copy(idx_hbm.at[wid], idx_v)
    for j in range(_B_PER_W // _CHUNK):
        pltpu.async_copy(w_hbm.at[idx_v.at[j]], rows_v, sem).wait()
        pltpu.sync_copy(rows_v, out_hbm.at[pl.ds(base + j * _CHUNK, _CHUNK)])


def _gather_rows(weight, idx3):
    mesh = plsc.VectorSubcoreMesh(core_axis_name="c", subcore_axis_name="s")
    k = pl.kernel(
        _gather_body,
        out_type=jax.ShapeDtypeStruct((_NUM_TOKENS, _DIM), jnp.float32),
        mesh=mesh,
        scratch_types=[
            pltpu.VMEM((_B_PER_W // _CHUNK, _CHUNK), jnp.int32),
            pltpu.VMEM((_CHUNK, _DIM), jnp.float32),
            pltpu.SemaphoreType.DMA,
        ],
    )
    return k(weight, idx3.reshape(_NW, _B_PER_W // _CHUNK, _CHUNK))



_BT3 = 1024


def _loss_body(q_ref, x_ref, qst_ref, loss_ref, acc_ref):
    t = pl.program_id(0)
    nt = pl.num_programs(0)
    q = q_ref[...]
    x = x_ref[...]
    d = q - x
    qst_ref[...] = x + d
    part = jnp.sum(d * d)

    @pl.when(t == 0)
    def _():
        acc_ref[0] = part

    @pl.when(t > 0)
    def _():
        acc_ref[0] += part

    @pl.when(t == nt - 1)
    def _():
        loss_ref[...] = jnp.full(
            (1, 1),
            _COMMITMENT_COST * (acc_ref[0] / (_NUM_TOKENS * _DIM)),
            jnp.float32,
        )


def _st_and_loss(quantized, flat_x):
    grid = (_NUM_TOKENS // _BT3,)
    return pl.pallas_call(
        _loss_body,
        grid=grid,
        in_specs=[
            pl.BlockSpec((_BT3, _DIM), lambda t: (t, 0)),
            pl.BlockSpec((_BT3, _DIM), lambda t: (t, 0)),
        ],
        out_specs=[
            pl.BlockSpec((_BT3, _DIM), lambda t: (t, 0)),
            pl.BlockSpec((1, 1), lambda t: (0, 0)),
        ],
        out_shape=[
            jax.ShapeDtypeStruct((_NUM_TOKENS, _DIM), jnp.float32),
            jax.ShapeDtypeStruct((1, 1), jnp.float32),
        ],
        scratch_shapes=[pltpu.SMEM((1,), jnp.float32)],
    )(quantized, flat_x)




def kernel(inputs, weight):
    input_shape = inputs.shape
    flat_x = inputs.reshape(_NUM_TOKENS, _DIM)
    idx3, enc, perp = _indices_encodings_perplexity(flat_x, weight)
    quantized = _gather_rows(weight, idx3)
    qst, loss = _st_and_loss(quantized, flat_x)
    return (
        loss.reshape(()),
        qst.reshape(input_shape),
        perp.reshape(()),
        enc,
    )

# --- scband reference (transcript-rebuilt; emitter-appended) ---
"""Pipeline reference for scband-vector-quantizer-ema-17179869991 (READ-ONLY COPY).

The authoritative reference and input builder live on the scoring server;
editing this copy changes nothing except your own understanding.
"""

import jax, jax.numpy as jnp
import numpy as np

NUM_EMBEDDINGS = 8192
EMBEDDING_DIM = 256
COMMITMENT_COST = 0.25


def setup_inputs(seed: int = 0) -> dict:
    key = jax.random.key(seed)
    k1, k2 = jax.random.split(key)
    inputs = jax.random.normal(k1, (32, 256, EMBEDDING_DIM), dtype=jnp.float32)
    weight = jax.random.normal(k2, (NUM_EMBEDDINGS, EMBEDDING_DIM), dtype=jnp.float32)
    return {"inputs": inputs, "weight": weight}


def reference(inputs, weight):
    # eval-mode forward of VectorQuantizerEMA (no EMA buffer updates)
    input_shape = inputs.shape
    flat_input = inputs.reshape(-1, EMBEDDING_DIM)
    distances = (
        jnp.sum(flat_input ** 2, axis=1, keepdims=True)
        + jnp.sum(weight ** 2, axis=1)
        - 2.0 * jnp.matmul(flat_input, weight.T)
    )
    encoding_indices = jnp.argmin(distances, axis=1)
    encodings = jax.nn.one_hot(encoding_indices, NUM_EMBEDDINGS, dtype=flat_input.dtype)
    quantized = jnp.matmul(encodings, weight).reshape(input_shape)
    # mse loss between detached quantized and inputs
    e_latent_loss = jnp.mean((jax.lax.stop_gradient(quantized) - inputs) ** 2)
    loss = COMMITMENT_COST * e_latent_loss
    # straight-through estimator
    quantized_st = inputs + jax.lax.stop_gradient(quantized - inputs)
    avg_probs = jnp.mean(encodings, axis=0)
    perplexity = jnp.exp(-jnp.sum(avg_probs * jnp.log(avg_probs + 1e-10)))
    return (loss, quantized_st, perplexity, encodings)

if __name__ == "__main__":
    import jax
    _d = setup_inputs()
    print(jax.jit(kernel)(*tuple(_d.values())))

</pallas_src>

<mosaic_0001>
#map = affine_map<(d0, d1) -> (0, 0)>
#map1 = affine_map<(d0, d1) -> (0, 0, 0)>
module attributes {stable_mosaic.version = 14 : i64} {
  func.func @_gather_body(%arg0: i32, %arg1: i32, %arg2: memref<8192x256xf32, #tpu.memory_space<hbm>>, %arg3: memref<32x2x128xi32, #tpu.memory_space<hbm>>, %arg4: memref<8192x256xf32, #tpu.memory_space<hbm>>, %arg5: memref<2x128xi32, #tpu.memory_space<vmem>>, %arg6: memref<128x256xf32, #tpu.memory_space<vmem>>, %arg7: memref<!tpu.dma_semaphore, #tpu.memory_space<semaphore_mem>>) attributes {dimension_semantics = [#tpu.dimension_semantics<core_parallel>, #tpu.dimension_semantics<subcore_parallel>], iteration_bounds = array<i64: 2, 16>, scalar_prefetch = 0 : i64, scratch_operands = 3 : i64, tpu.core_type = #tpu.core_type<sc_vector_subcore>, window_params = [{transform_indices = #map}, {transform_indices = #map1}, {transform_indices = #map}]} {
    %mul3A = arith.constant 2 : i32
    %mul3A_0 = arith.muli %arg1, %mul3A : i32
    %add3A = arith.addi %mul3A_0, %arg0 : i32
    %mul3A_1 = arith.constant 256 : i32
    %mul3A_2 = arith.muli %add3A, %mul3A_1 : i32
    "tpu.region"() ({
      %run_scoped3A = tpu.sem_alloc : memref<!tpu.dma_semaphore, #tpu.memory_space<semaphore_mem>>
      %dma_start3A_33 = arith.constant 0 : i32
      %dma_start3A_34 = arith.constant 0 : i32
      %dma_start3A_35 = tpu.memref_slice %arg3[%add3A, %dma_start3A_33, %dma_start3A_34] : memref<32x2x128xi32, #tpu.memory_space<hbm>> -> memref<1x2x128xi32, #tpu.memory_space<hbm>>
      %dma_start3A_36 = tpu.memref_squeeze %dma_start3A_35 : memref<1x2x128xi32, #tpu.memory_space<hbm>> -> memref<2x128xi32, #tpu.memory_space<hbm>>
      %dma_start3A_37 = arith.constant 0 : i32
      %dma_start3A_38 = arith.constant 0 : i32
      %dma_start3A_39 = tpu.memref_slice %arg3[%add3A, %dma_start3A_37, %dma_start3A_38] : memref<32x2x128xi32, #tpu.memory_space<hbm>> -> memref<1x2x128xi32, #tpu.memory_space<hbm>>
      %dma_start3A_40 = tpu.memref_squeeze %dma_start3A_39 : memref<1x2x128xi32, #tpu.memory_space<hbm>> -> memref<2x128xi32, #tpu.memory_space<hbm>>
      tpu.enqueue_dma source(%dma_start3A_40 : memref<2x128xi32, #tpu.memory_space<hbm>>) target(%arg5 : memref<2x128xi32, #tpu.memory_space<vmem>>) target_semaphore(%run_scoped3A : memref<!tpu.dma_semaphore, #tpu.memory_space<semaphore_mem>>)
      %dma_wait3A_41 = arith.constant 0 : i32
      %dma_wait3A_42 = arith.constant 0 : i32
      %dma_wait3A_43 = tpu.memref_slice %arg3[%add3A, %dma_wait3A_41, %dma_wait3A_42] : memref<32x2x128xi32, #tpu.memory_space<hbm>> -> memref<1x2x128xi32, #tpu.memory_space<hbm>>
      %dma_wait3A_44 = tpu.memref_squeeze %dma_wait3A_43 : memref<1x2x128xi32, #tpu.memory_space<hbm>> -> memref<2x128xi32, #tpu.memory_space<hbm>>
      %dma_wait3A_45 = arith.constant 0 : i32
      %dma_wait3A_46 = arith.constant 0 : i32
      %dma_wait3A_47 = tpu.memref_slice %arg3[%add3A, %dma_wait3A_45, %dma_wait3A_46] : memref<32x2x128xi32, #tpu.memory_space<hbm>> -> memref<1x2x128xi32, #tpu.memory_space<hbm>>
      %dma_wait3A_48 = tpu.memref_squeeze %dma_wait3A_47 : memref<1x2x128xi32, #tpu.memory_space<hbm>> -> memref<2x128xi32, #tpu.memory_space<hbm>>
      tpu.wait_dma2 semaphore(%run_scoped3A : memref<!tpu.dma_semaphore, #tpu.memory_space<semaphore_mem>>) src(%dma_wait3A_48 : memref<2x128xi32, #tpu.memory_space<hbm>>) dst(%arg5 : memref<2x128xi32, #tpu.memory_space<vmem>>)
      tpu.yield
    }) : () -> ()
    %dma_start3A = arith.constant 0 : i32
    %dma_start3A_3 = arith.constant 0 : i32
    %dma_start3A_4 = tpu.memref_slice %arg5[%dma_start3A, %dma_start3A_3] : memref<2x128xi32, #tpu.memory_space<vmem>> -> memref<1x128xi32, #tpu.memory_space<vmem>>
    %dma_start3A_5 = tpu.memref_squeeze %dma_start3A_4 : memref<1x128xi32, #tpu.memory_space<vmem>> -> memref<128xi32, #tpu.memory_space<vmem>>
    %dma_start3A_6 = arith.constant 0 : i32
    %dma_start3A_7 = arith.constant 0 : i32
    %dma_start3A_8 = tpu.memref_slice %arg2[%dma_start3A_6, %dma_start3A_7] : memref<8192x256xf32, #tpu.memory_space<hbm>> -> memref<8192x256xf32, #tpu.memory_space<hbm>>
    tpu.enqueue_indirect_dma source(%dma_start3A_8 : memref<8192x256xf32, #tpu.memory_space<hbm>>) target(%arg6 : memref<128x256xf32, #tpu.memory_space<vmem>>) offsets(%dma_start3A_5 : memref<128xi32, #tpu.memory_space<vmem>>) semaphore(%arg7 : memref<!tpu.dma_semaphore, #tpu.memory_space<semaphore_mem>>)
    %dma_wait3A = arith.constant 0 : i32
    %dma_wait3A_9 = arith.constant 0 : i32
    %dma_wait3A_10 = tpu.memref_slice %arg5[%dma_wait3A, %dma_wait3A_9] : memref<2x128xi32, #tpu.memory_space<vmem>> -> memref<1x128xi32, #tpu.memory_space<vmem>>
    %dma_wait3A_11 = tpu.memref_squeeze %dma_wait3A_10 : memref<1x128xi32, #tpu.memory_space<vmem>> -> memref<128xi32, #tpu.memory_space<vmem>>
    %dma_wait3A_12 = arith.constant 0 : i32
    %dma_wait3A_13 = arith.constant 0 : i32
    %dma_wait3A_14 = tpu.memref_slice %arg2[%dma_wait3A_12, %dma_wait3A_13] : memref<8192x256xf32, #tpu.memory_space<hbm>> -> memref<8192x256xf32, #tpu.memory_space<hbm>>
    tpu.wait_indirect_dma semaphore(%arg7 : memref<!tpu.dma_semaphore, #tpu.memory_space<semaphore_mem>>) src(%dma_wait3A_14 : memref<8192x256xf32, #tpu.memory_space<hbm>>) dst(%arg6 : memref<128x256xf32, #tpu.memory_space<vmem>>)
    %add3A_15 = arith.constant 0 : i32
    %add3A_16 = arith.addi %mul3A_2, %add3A_15 : i32
    "tpu.region"() ({
      %run_scoped3A = tpu.sem_alloc : memref<!tpu.dma_semaphore, #tpu.memory_space<semaphore_mem>>
      %dma_start3A_33 = arith.constant 0 : i32
      %dma_start3A_34 = tpu.memref_slice %arg4[%add3A_16, %dma_start3A_33] : memref<8192x256xf32, #tpu.memory_space<hbm>> -> memref<128x256xf32, #tpu.memory_space<hbm>>
      %dma_start3A_35 = arith.constant 0 : i32
      %dma_start3A_36 = tpu.memref_slice %arg4[%add3A_16, %dma_start3A_35] : memref<8192x256xf32, #tpu.memory_space<hbm>> -> memref<128x256xf32, #tpu.memory_space<hbm>>
      tpu.enqueue_dma source(%arg6 : memref<128x256xf32, #tpu.memory_space<vmem>>) target(%dma_start3A_36 : memref<128x256xf32, #tpu.memory_space<hbm>>) target_semaphore(%run_scoped3A : memref<!tpu.dma_semaphore, #tpu.memory_space<semaphore_mem>>)
      %dma_wait3A_37 = arith.constant 0 : i32
      %dma_wait3A_38 = tpu.memref_slice %arg4[%add3A_16, %dma_wait3A_37] : memref<8192x256xf32, #tpu.memory_space<hbm>> -> memref<128x256xf32, #tpu.memory_space<hbm>>
      %dma_wait3A_39 = arith.constant 0 : i32
      %dma_wait3A_40 = tpu.memref_slice %arg4[%add3A_16, %dma_wait3A_39] : memref<8192x256xf32, #tpu.memory_space<hbm>> -> memref<128x256xf32, #tpu.memory_space<hbm>>
      tpu.wait_dma2 semaphore(%run_scoped3A : memref<!tpu.dma_semaphore, #tpu.memory_space<semaphore_mem>>) src(%arg6 : memref<128x256xf32, #tpu.memory_space<vmem>>) dst(%dma_wait3A_40 : memref<128x256xf32, #tpu.memory_space<hbm>>)
      tpu.yield
    }) : () -> ()
    %dma_start3A_17 = arith.constant 1 : i32
    %dma_start3A_18 = arith.constant 0 : i32
    %dma_start3A_19 = tpu.memref_slice %arg5[%dma_start3A_17, %dma_start3A_18] : memref<2x128xi32, #tpu.memory_space<vmem>> -> memref<1x128xi32, #tpu.memory_space<vmem>>
    %dma_start3A_20 = tpu.memref_squeeze %dma_start3A_19 : memref<1x128xi32, #tpu.memory_space<vmem>> -> memref<128xi32, #tpu.memory_space<vmem>>
    %dma_start3A_21 = arith.constant 0 : i32
    %dma_start3A_22 = arith.constant 0 : i32
    %dma_start3A_23 = tpu.memref_slice %arg2[%dma_start3A_21, %dma_start3A_22] : memref<8192x256xf32, #tpu.memory_space<hbm>> -> memref<8192x256xf32, #tpu.memory_space<hbm>>
    tpu.enqueue_indirect_dma source(%dma_start3A_23 : memref<8192x256xf32, #tpu.memory_space<hbm>>) target(%arg6 : memref<128x256xf32, #tpu.memory_space<vmem>>) offsets(%dma_start3A_20 : memref<128xi32, #tpu.memory_space<vmem>>) semaphore(%arg7 : memref<!tpu.dma_semaphore, #tpu.memory_space<semaphore_mem>>)
    %dma_wait3A_24 = arith.constant 1 : i32
    %dma_wait3A_25 = arith.constant 0 : i32
    %dma_wait3A_26 = tpu.memref_slice %arg5[%dma_wait3A_24, %dma_wait3A_25] : memref<2x128xi32, #tpu.memory_space<vmem>> -> memref<1x128xi32, #tpu.memory_space<vmem>>
    %dma_wait3A_27 = tpu.memref_squeeze %dma_wait3A_26 : memref<1x128xi32, #tpu.memory_space<vmem>> -> memref<128xi32, #tpu.memory_space<vmem>>
    %dma_wait3A_28 = arith.constant 0 : i32
    %dma_wait3A_29 = arith.constant 0 : i32
    %dma_wait3A_30 = tpu.memref_slice %arg2[%dma_wait3A_28, %dma_wait3A_29] : memref<8192x256xf32, #tpu.memory_space<hbm>> -> memref<8192x256xf32, #tpu.memory_space<hbm>>
    tpu.wait_indirect_dma semaphore(%arg7 : memref<!tpu.dma_semaphore, #tpu.memory_space<semaphore_mem>>) src(%dma_wait3A_30 : memref<8192x256xf32, #tpu.memory_space<hbm>>) dst(%arg6 : memref<128x256xf32, #tpu.memory_space<vmem>>)
    %add3A_31 = arith.constant 128 : i32
    %add3A_32 = arith.addi %mul3A_2, %add3A_31 : i32
    "tpu.region"() ({
      %run_scoped3A = tpu.sem_alloc : memref<!tpu.dma_semaphore, #tpu.memory_space<semaphore_mem>>
      %dma_start3A_33 = arith.constant 0 : i32
      %dma_start3A_34 = tpu.memref_slice %arg4[%add3A_32, %dma_start3A_33] : memref<8192x256xf32, #tpu.memory_space<hbm>> -> memref<128x256xf32, #tpu.memory_space<hbm>>
      %dma_start3A_35 = arith.constant 0 : i32
      %dma_start3A_36 = tpu.memref_slice %arg4[%add3A_32, %dma_start3A_35] : memref<8192x256xf32, #tpu.memory_space<hbm>> -> memref<128x256xf32, #tpu.memory_space<hbm>>
      tpu.enqueue_dma source(%arg6 : memref<128x256xf32, #tpu.memory_space<vmem>>) target(%dma_start3A_36 : memref<128x256xf32, #tpu.memory_space<hbm>>) target_semaphore(%run_scoped3A : memref<!tpu.dma_semaphore, #tpu.memory_space<semaphore_mem>>)
      %dma_wait3A_37 = arith.constant 0 : i32
      %dma_wait3A_38 = tpu.memref_slice %arg4[%add3A_32, %dma_wait3A_37] : memref<8192x256xf32, #tpu.memory_space<hbm>> -> memref<128x256xf32, #tpu.memory_space<hbm>>
      %dma_wait3A_39 = arith.constant 0 : i32
      %dma_wait3A_40 = tpu.memref_slice %arg4[%add3A_32, %dma_wait3A_39] : memref<8192x256xf32, #tpu.memory_space<hbm>> -> memref<128x256xf32, #tpu.memory_space<hbm>>
      tpu.wait_dma2 semaphore(%run_scoped3A : memref<!tpu.dma_semaphore, #tpu.memory_space<semaphore_mem>>) src(%arg6 : memref<128x256xf32, #tpu.memory_space<vmem>>) dst(%dma_wait3A_40 : memref<128x256xf32, #tpu.memory_space<hbm>>)
      tpu.yield
    }) : () -> ()
    return
  }
}

module attributes {stable_mosaic.version = 14 : i64} {
  func.func @_enc_fused_body(%arg0: i32, %arg1: i32, %arg2: memref<512x256xf32, #tpu.memory_space<vmem>>, %arg3: memref<8192x256xf32, #tpu.memory_space<vmem>>, %arg4: memref<1x1x512xi32, #tpu.memory_space<vmem>>, %arg5: memref<512x2048xf32, #tpu.memory_space<vmem>>, %arg6: memref<1x1xf32, #tpu.memory_space<vmem>>, %arg7: memref<1x512xi32, #tpu.memory_space<vmem>>, %arg8: memref<1x8192xf32, #tpu.memory_space<vmem>>, %arg9: memref<1xf32, #tpu.memory_space<smem>>, %arg10: memref<1x8192xf32, #tpu.memory_space<vmem>>, %arg11: memref<512x4096xf32, #tpu.memory_space<vmem>>) attributes {dimension_semantics = [#tpu.dimension_semantics<arbitrary>, #tpu.dimension_semantics<arbitrary>], iteration_bounds = array<i64: 16, 4>, scalar_prefetch = 0 : i64, scratch_operands = 5 : i64, tpu.core_type = #tpu.core_type<tc>, window_params = [{transform_indices = @transform_0, window_bounds = array<i64: 512, 256>}, {pipeline_mode = #tpu.pipeline_mode<synchronous>, transform_indices = @transform_1, window_bounds = array<i64: 8192, 256>}, {transform_indices = @transform_2, window_bounds = array<i64: 1, 1, 512>}, {transform_indices = @transform_3, window_bounds = array<i64: 512, 2048>}, {pipeline_mode = #tpu.pipeline_mode<synchronous>, transform_indices = @transform_4, window_bounds = array<i64: 1, 1>}]} {
    %eq3A = arith.constant 0 : i32
    %eq3A_0 = arith.cmpi eq, %arg0, %eq3A : i32
    %eq3A_1 = arith.constant 0 : i32
    %eq3A_2 = arith.cmpi eq, %arg1, %eq3A_1 : i32
    %and3A = arith.andi %eq3A_0, %eq3A_2 : i1
    %convert_element_type3A = arith.extui %and3A : i1 to i32
    %cond3A = arith.constant 0 : i32
    %cond3A_3 = arith.cmpi ne, %convert_element_type3A, %cond3A : i32
    scf.if %cond3A_3 {
      %get3A_36 = arith.constant 0 : index
      %get3A_37 = arith.constant 0 : index
      %get3A_38 = vector.load %arg3[%get3A_36, %get3A_37] : memref<8192x256xf32, #tpu.memory_space<vmem>>, vector<512x256xf32>
      %mul3A_39 = arith.mulf %get3A_38, %get3A_38 : vector<512x256xf32>
      %reduce_sum3A_40 = arith.constant dense<0.000000e+00> : vector<512xf32>
      %reduce_sum3A_41 = vector.multi_reduction <add>, %mul3A_39, %reduce_sum3A_40 [1] : vector<512x256xf32> to vector<512xf32>
      %swap3A_42 = arith.constant 0 : index
      %swap3A_43 = arith.constant 0 : index
      %swap3A_44 = vector.load %arg10[%swap3A_42, %swap3A_43] : memref<1x8192xf32, #tpu.memory_space<vmem>>, vector<1x512xf32>
      %swap3A_45 = vector.shape_cast %swap3A_44 : vector<1x512xf32> to vector<512xf32>
      %swap3A_46 = vector.shape_cast %reduce_sum3A_41 : vector<512xf32> to vector<1x512xf32>
      tpu.vector_store %arg10[%swap3A_42, %swap3A_43], %swap3A_46 {strides = array<i32>} : memref<1x8192xf32, #tpu.memory_space<vmem>>, vector<1x512xf32>,
      %get3A_47 = arith.constant 512 : index
      %get3A_48 = arith.constant 0 : index
      %get3A_49 = vector.load %arg3[%get3A_47, %get3A_48] : memref<8192x256xf32, #tpu.memory_space<vmem>>, vector<512x256xf32>
      %mul3A_50 = arith.mulf %get3A_49, %get3A_49 : vector<512x256xf32>
      %reduce_sum3A_51 = arith.constant dense<0.000000e+00> : vector<512xf32>
      %reduce_sum3A_52 = vector.multi_reduction <add>, %mul3A_50, %reduce_sum3A_51 [1] : vector<512x256xf32> to vector<512xf32>
      %swap3A_53 = arith.constant 0 : index
      %swap3A_54 = arith.constant 512 : index
      %swap3A_55 = vector.load %arg10[%swap3A_53, %swap3A_54] : memref<1x8192xf32, #tpu.memory_space<vmem>>, vector<1x512xf32>
      %swap3A_56 = vector.shape_cast %swap3A_55 : vector<1x512xf32> to vector<512xf32>
      %swap3A_57 = vector.shape_cast %reduce_sum3A_52 : vector<512xf32> to vector<1x512xf32>
      tpu.vector_store %arg10[%swap3A_53, %swap3A_54], %swap3A_57 {strides = array<i32>} : memref<1x8192xf32, #tpu.memory_space<vmem>>, vector<1x512xf32>,
      %get3A_58 = arith.constant 1024 : index
      %get3A_59 = arith.constant 0 : index
      %get3A_60 = vector.load %arg3[%get3A_58, %get3A_59] : memref<8192x256xf32, #tpu.memory_space<vmem>>, vector<512x256xf32>
      %mul3A_61 = arith.mulf %get3A_60, %get3A_60 : vector<512x256xf32>
      %reduce_sum3A_62 = arith.constant dense<0.000000e+00> : vector<512xf32>
      %reduce_sum3A_63 = vector.multi_reduction <add>, %mul3A_61, %reduce_sum3A_62 [1] : vector<512x256xf32> to vector<512xf32>
      %swap3A_64 = arith.constant 0 : index
      %swap3A_65 = arith.constant 1024 : index
      %swap3A_66 = vector.load %arg10[%swap3A_64, %swap3A_65] : memref<1x8192xf32, #tpu.memory_space<vmem>>, vector<1x512xf32>
      %swap3A_67 = vector.shape_cast %swap3A_66 : vector<1x512xf32> to vector<512xf32>
      %swap3A_68 = vector.shape_cast %reduce_sum3A_63 : vector<512xf32> to vector<1x512xf32>
      tpu.vector_store %arg10[%swap3A_64, %swap3A_65], %swap3A_68 {strides = array<i32>} : memref<1x8192xf32, #tpu.memory_space<vmem>>, vector<1x512xf32>,
      %get3A_69 = arith.constant 1536 : index
      %get3A_70 = arith.constant 0 : index
      %get3A_71 = vector.load %arg3[%get3A_69, %get3A_70] : memref<8192x256xf32, #tpu.memory_space<vmem>>, vector<512x256xf32>
      %mul3A_72 = arith.mulf %get3A_71, %get3A_71 : vector<512x256xf32>
      %reduce_sum3A_73 = arith.constant dense<0.000000e+00> : vector<512xf32>
      %reduce_sum3A_74 = vector.multi_reduction <add>, %mul3A_72, %reduce_sum3A_73 [1] : vector<512x256xf32> to vector<512xf32>
      %swap3A_75 = arith.constant 0 : index
      %swap3A_76 = arith.constant 1536 : index
      %swap3A_77 = vector.load %arg10[%swap3A_75, %swap3A_76] : memref<1x8192xf32, #tpu.memory_space<vmem>>, vector<1x512xf32>
      %swap3A_78 = vector.shape_cast %swap3A_77 : vector<1x512xf32> to vector<512xf32>
      %swap3A_79 = vector.shape_cast %reduce_sum3A_74 : vector<512xf32> to vector<1x512xf32>
      tpu.vector_store %arg10[%swap3A_75, %swap3A_76], %swap3A_79 {strides = array<i32>} : memref<1x8192xf32, #tpu.memory_space<vmem>>, vector<1x512xf32>,
      %get3A_80 = arith.constant 2048 : index
      %get3A_81 = arith.constant 0 : index
      %get3A_82 = vector.load %arg3[%get3A_80, %get3A_81] : memref<8192x256xf32, #tpu.memory_space<vmem>>, vector<512x256xf32>
      %mul3A_83 = arith.mulf %get3A_82, %get3A_82 : vector<512x256xf32>
      %reduce_sum3A_84 = arith.constant dense<0.000000e+00> : vector<512xf32>
      %reduce_sum3A_85 = vector.multi_reduction <add>, %mul3A_83, %reduce_sum3A_84 [1] : vector<512x256xf32> to vector<512xf32>
      %swap3A_86 = arith.constant 0 : index
      %swap3A_87 = arith.constant 2048 : index
      %swap3A_88 = vector.load %arg10[%swap3A_86, %swap3A_87] : memref<1x8192xf32, #tpu.memory_space<vmem>>, vector<1x512xf32>
      %swap3A_89 = vector.shape_cast %swap3A_88 : vector<1x512xf32> to vector<512xf32>
      %swap3A_90 = vector.shape_cast %reduce_sum3A_85 : vector<512xf32> to vector<1x512xf32>
      tpu.vector_store %arg10[%swap3A_86, %swap3A_87], %swap3A_90 {strides = array<i32>} : memref<1x8192xf32, #tpu.memory_space<vmem>>, vector<1x512xf32>,
      %get3A_91 = arith.constant 2560 : index
      %get3A_92 = arith.constant 0 : index
      %get3A_93 = vector.load %arg3[%get3A_91, %get3A_92] : memref<8192x256xf32, #tpu.memory_space<vmem>>, vector<512x256xf32>
      %mul3A_94 = arith.mulf %get3A_93, %get3A_93 : vector<512x256xf32>
      %reduce_sum3A_95 = arith.constant dense<0.000000e+00> : vector<512xf32>
      %reduce_sum3A_96 = vector.multi_reduction <add>, %mul3A_94, %reduce_sum3A_95 [1] : vector<512x256xf32> to vector<512xf32>
      %swap3A_97 = arith.constant 0 : index
      %swap3A_98 = arith.constant 2560 : index
      %swap3A_99 = vector.load %arg10[%swap3A_97, %swap3A_98] : memref<1x8192xf32, #tpu.memory_space<vmem>>, vector<1x512xf32>
      %swap3A_100 = vector.shape_cast %swap3A_99 : vector<1x512xf32> to vector<512xf32>
      %swap3A_101 = vector.shape_cast %reduce_sum3A_96 : vector<512xf32> to vector<1x512xf32>
      tpu.vector_store %arg10[%swap3A_97, %swap3A_98], %swap3A_101 {strides = array<i32>} : memref<1x8192xf32, #tpu.memory_space<vmem>>, vector<1x512xf32>,
      %get3A_102 = arith.constant 3072 : index
      %get3A_103 = arith.constant 0 : index
      %get3A_104 = vector.load %arg3[%get3A_102, %get3A_103] : memref<8192x256xf32, #tpu.memory_space<vmem>>, vector<512x256xf32>
      %mul3A_105 = arith.mulf %get3A_104, %get3A_104 : vector<512x256xf32>
      %reduce_sum3A_106 = arith.constant dense<0.000000e+00> : vector<512xf32>
      %reduce_sum3A_107 = vector.multi_reduction <add>, %mul3A_105, %reduce_sum3A_106 [1] : vector<512x256xf32> to vector<512xf32>
      %swap3A_108 = arith.constant 0 : index
      %swap3A_109 = arith.constant 3072 : index
      %swap3A_110 = vector.load %arg10[%swap3A_108, %swap3A_109] : memref<1x8192xf32, #tpu.memory_space<vmem>>, vector<1x512xf32>
      %swap3A_111 = vector.shape_cast %swap3A_110 : vector<1x512xf32> to vector<512xf32>
      %swap3A_112 = vector.shape_cast %reduce_sum3A_107 : vector<512xf32> to vector<1x512xf32>
      tpu.vector_store %arg10[%swap3A_108, %swap3A_109], %swap3A_112 {strides = array<i32>} : memref<1x8192xf32, #tpu.memory_space<vmem>>, vector<1x512xf32>,
      %get3A_113 = arith.constant 3584 : index
      %get3A_114 = arith.constant 0 : index
      %get3A_115 = vector.load %arg3[%get3A_113, %get3A_114] : memref<8192x256xf32, #tpu.memory_space<vmem>>, vector<512x256xf32>
      %mul3A_116 = arith.mulf %get3A_115, %get3A_115 : vector<512x256xf32>
      %reduce_sum3A_117 = arith.constant dense<0.000000e+00> : vector<512xf32>
      %reduce_sum3A_118 = vector.multi_reduction <add>, %mul3A_116, %reduce_sum3A_117 [1] : vector<512x256xf32> to vector<512xf32>
      %swap3A_119 = arith.constant 0 : index
      %swap3A_120 = arith.constant 3584 : index
      %swap3A_121 = vector.load %arg10[%swap3A_119, %swap3A_120] : memref<1x8192xf32, #tpu.memory_space<vmem>>, vector<1x512xf32>
      %swap3A_122 = vector.shape_cast %swap3A_121 : vector<1x512xf32> to vector<512xf32>
      %swap3A_123 = vector.shape_cast %reduce_sum3A_118 : vector<512xf32> to vector<1x512xf32>
      tpu.vector_store %arg10[%swap3A_119, %swap3A_120], %swap3A_123 {strides = array<i32>} : memref<1x8192xf32, #tpu.memory_space<vmem>>, vector<1x512xf32>,
      %get3A_124 = arith.constant 4096 : index
      %get3A_125 = arith.constant 0 : index
      %get3A_126 = vector.load %arg3[%get3A_124, %get3A_125] : memref<8192x256xf32, #tpu.memory_space<vmem>>, vector<512x256xf32>
      %mul3A_127 = arith.mulf %get3A_126, %get3A_126 : vector<512x256xf32>
      %reduce_sum3A_128 = arith.constant dense<0.000000e+00> : vector<512xf32>
      %reduce_sum3A_129 = vector.multi_reduction <add>, %mul3A_127, %reduce_sum3A_128 [1] : vector<512x256xf32> to vector<512xf32>
      %swap3A_130 = arith.constant 0 : index
      %swap3A_131 = arith.constant 4096 : index
      %swap3A_132 = vector.load %arg10[%swap3A_130, %swap3A_131] : memref<1x8192xf32, #tpu.memory_space<vmem>>, vector<1x512xf32>
      %swap3A_133 = vector.shape_cast %swap3A_132 : vector<1x512xf32> to vector<512xf32>
      %swap3A_134 = vector.shape_cast %reduce_sum3A_129 : vector<512xf32> to vector<1x512xf32>
      tpu.vector_store %arg10[%swap3A_130, %swap3A_131], %swap3A_134 {strides = array<i32>} : memref<1x8192xf32, #tpu.memory_space<vmem>>, vector<1x512xf32>,
      %get3A_135 = arith.constant 4608 : index
      %get3A_136 = arith.constant 0 : index
      %get3A_137 = vector.load %arg3[%get3A_135, %get3A_136] : memref<8192x256xf32, #tpu.memory_space<vmem>>, vector<512x256xf32>
      %mul3A_138 = arith.mulf %get3A_137, %get3A_137 : vector<512x256xf32>
      %reduce_sum3A_139 = arith.constant dense<0.000000e+00> : vector<512xf32>
      %reduce_sum3A_140 = vector.multi_reduction <add>, %mul3A_138, %reduce_sum3A_139 [1] : vector<512x256xf32> to vector<512xf32>
      %swap3A_141 = arith.constant 0 : index
      %swap3A_142 = arith.constant 4608 : index
      %swap3A_143 = vector.load %arg10[%swap3A_141, %swap3A_142] : memref<1x8192xf32, #tpu.memory_space<vmem>>, vector<1x512xf32>
      %swap3A_144 = vector.shape_cast %swap3A_143 : vector<1x512xf32> to vector<512xf32>
      %swap3A_145 = vector.shape_cast %reduce_sum3A_140 : vector<512xf32> to vector<1x512xf32>
      tpu.vector_store %arg10[%swap3A_141, %swap3A_142], %swap3A_145 {strides = array<i32>} : memref<1x8192xf32, #tpu.memory_space<vmem>>, vector<1x512xf32>,
      %get3A_146 = arith.constant 5120 : index
      %get3A_147 = arith.constant 0 : index
      %get3A_148 = vector.load %arg3[%get3A_146, %get3A_147] : memref<8192x256xf32, #tpu.memory_space<vmem>>, vector<512x256xf32>
      %mul3A_149 = arith.mulf %get3A_148, %get3A_148 : vector<512x256xf32>
      %reduce_sum3A_150 = arith.constant dense<0.000000e+00> : vector<512xf32>
      %reduce_sum3A_151 = vector.multi_reduction <add>, %mul3A_149, %reduce_sum3A_150 [1] : vector<512x256xf32> to vector<512xf32>
      %swap3A_152 = arith.constant 0 : index
      %swap3A_153 = arith.constant 5120 : index
      %swap3A_154 = vector.load %arg10[%swap3A_152, %swap3A_153] : memref<1x8192xf32, #tpu.memory_space<vmem>>, vector<1x512xf32>
      %swap3A_155 = vector.shape_cast %swap3A_154 : vector<1x512xf32> to vector<512xf32>
      %swap3A_156 = vector.shape_cast %reduce_sum3A_151 : vector<512xf32> to vector<1x512xf32>
      tpu.vector_store %arg10[%swap3A_152, %swap3A_153], %swap3A_156 {strides = array<i32>} : memref<1x8192xf32, #tpu.memory_space<vmem>>, vector<1x512xf32>,
      %get3A_157 = arith.constant 5632 : index
      %get3A_158 = arith.constant 0 : index
      %get3A_159 = vector.load %arg3[%get3A_157, %get3A_158] : memref<8192x256xf32, #tpu.memory_space<vmem>>, vector<512x256xf32>
      %mul3A_160 = arith.mulf %get3A_159, %get3A_159 : vector<512x256xf32>
      %reduce_sum3A_161 = arith.constant dense<0.000000e+00> : vector<512xf32>
      %reduce_sum3A_162 = vector.multi_reduction <add>, %mul3A_160, %reduce_sum3A_161 [1] : vector<512x256xf32> to vector<512xf32>
      %swap3A_163 = arith.constant 0 : index
      %swap3A_164 = arith.constant 5632 : index
      %swap3A_165 = vector.load %arg10[%swap3A_163, %swap3A_164] : memref<1x8192xf32, #tpu.memory_space<vmem>>, vector<1x512xf32>
      %swap3A_166 = vector.shape_cast %swap3A_165 : vector<1x512xf32> to vector<512xf32>
      %swap3A_167 = vector.shape_cast %reduce_sum3A_162 : vector<512xf32> to vector<1x512xf32>
      tpu.vector_store %arg10[%swap3A_163, %swap3A_164], %swap3A_167 {strides = array<i32>} : memref<1x8192xf32, #tpu.memory_space<vmem>>, vector<1x512xf32>,
      %get3A_168 = arith.constant 6144 : index
      %get3A_169 = arith.constant 0 : index
      %get3A_170 = vector.load %arg3[%get3A_168, %get3A_169] : memref<8192x256xf32, #tpu.memory_space<vmem>>, vector<512x256xf32>
      %mul3A_171 = arith.mulf %get3A_170, %get3A_170 : vector<512x256xf32>
      %reduce_sum3A_172 = arith.constant dense<0.000000e+00> : vector<512xf32>
      %reduce_sum3A_173 = vector.multi_reduction <add>, %mul3A_171, %reduce_sum3A_172 [1] : vector<512x256xf32> to vector<512xf32>
      %swap3A_174 = arith.constant 0 : index
      %swap3A_175 = arith.constant 6144 : index
      %swap3A_176 = vector.load %arg10[%swap3A_174, %swap3A_175] : memref<1x8192xf32, #tpu.memory_space<vmem>>, vector<1x512xf32>
      %swap3A_177 = vector.shape_cast %swap3A_176 : vector<1x512xf32> to vector<512xf32>
      %swap3A_178 = vector.shape_cast %reduce_sum3A_173 : vector<512xf32> to vector<1x512xf32>
      tpu.vector_store %arg10[%swap3A_174, %swap3A_175], %swap3A_178 {strides = array<i32>} : memref<1x8192xf32, #tpu.memory_space<vmem>>, vector<1x512xf32>,
      %get3A_179 = arith.constant 6656 : index
      %get3A_180 = arith.constant 0 : index
      %get3A_181 = vector.load %arg3[%get3A_179, %get3A_180] : memref<8192x256xf32, #tpu.memory_space<vmem>>, vector<512x256xf32>
      %mul3A_182 = arith.mulf %get3A_181, %get3A_181 : vector<512x256xf32>
      %reduce_sum3A_183 = arith.constant dense<0.000000e+00> : vector<512xf32>
      %reduce_sum3A_184 = vector.multi_reduction <add>, %mul3A_182, %reduce_sum3A_183 [1] : vector<512x256xf32> to vector<512xf32>
      %swap3A_185 = arith.constant 0 : index
      %swap3A_186 = arith.constant 6656 : index
      %swap3A_187 = vector.load %arg10[%swap3A_185, %swap3A_186] : memref<1x8192xf32, #tpu.memory_space<vmem>>, vector<1x512xf32>
      %swap3A_188 = vector.shape_cast %swap3A_187 : vector<1x512xf32> to vector<512xf32>
      %swap3A_189 = vector.shape_cast %reduce_sum3A_184 : vector<512xf32> to vector<1x512xf32>
      tpu.vector_store %arg10[%swap3A_185, %swap3A_186], %swap3A_189 {strides = array<i32>} : memref<1x8192xf32, #tpu.memory_space<vmem>>, vector<1x512xf32>,
      %get3A_190 = arith.constant 7168 : index
      %get3A_191 = arith.constant 0 : index
      %get3A_192 = vector.load %arg3[%get3A_190, %get3A_191] : memref<8192x256xf32, #tpu.memory_space<vmem>>, vector<512x256xf32>
      %mul3A_193 = arith.mulf %get3A_192, %get3A_192 : vector<512x256xf32>
      %reduce_sum3A_194 = arith.constant dense<0.000000e+00> : vector<512xf32>
      %reduce_sum3A_195 = vector.multi_reduction <add>, %mul3A_193, %reduce_sum3A_194 [1] : vector<512x256xf32> to vector<512xf32>
      %swap3A_196 = arith.constant 0 : index
      %swap3A_197 = arith.constant 7168 : index
      %swap3A_198 = vector.load %arg10[%swap3A_196, %swap3A_197] : memref<1x8192xf32, #tpu.memory_space<vmem>>, vector<1x512xf32>
      %swap3A_199 = vector.shape_cast %swap3A_198 : vector<1x512xf32> to vector<512xf32>
      %swap3A_200 = vector.shape_cast %reduce_sum3A_195 : vector<512xf32> to vector<1x512xf32>
      tpu.vector_store %arg10[%swap3A_196, %swap3A_197], %swap3A_200 {strides = array<i32>} : memref<1x8192xf32, #tpu.memory_space<vmem>>, vector<1x512xf32>,
      %get3A_201 = arith.constant 7680 : index
      %get3A_202 = arith.constant 0 : index
      %get3A_203 = vector.load %arg3[%get3A_201, %get3A_202] : memref<8192x256xf32, #tpu.memory_space<vmem>>, vector<512x256xf32>
      %mul3A_204 = arith.mulf %get3A_203, %get3A_203 : vector<512x256xf32>
      %reduce_sum3A_205 = arith.constant dense<0.000000e+00> : vector<512xf32>
      %reduce_sum3A_206 = vector.multi_reduction <add>, %mul3A_204, %reduce_sum3A_205 [1] : vector<512x256xf32> to vector<512xf32>
      %swap3A_207 = arith.constant 0 : index
      %swap3A_208 = arith.constant 7680 : index
      %swap3A_209 = vector.load %arg10[%swap3A_207, %swap3A_208] : memref<1x8192xf32, #tpu.memory_space<vmem>>, vector<1x512xf32>
      %swap3A_210 = vector.shape_cast %swap3A_209 : vector<1x512xf32> to vector<512xf32>
      %swap3A_211 = vector.shape_cast %reduce_sum3A_206 : vector<512xf32> to vector<1x512xf32>
      tpu.vector_store %arg10[%swap3A_207, %swap3A_208], %swap3A_211 {strides = array<i32>} : memref<1x8192xf32, #tpu.memory_space<vmem>>, vector<1x512xf32>,
    } else {
    }
    %eq3A_4 = arith.constant 0 : i32
    %eq3A_5 = arith.cmpi eq, %arg1, %eq3A_4 : i32
    %convert_element_type3A_6 = arith.extui %eq3A_5 : i1 to i32
    %cond3A_7 = arith.constant 0 : i32
    %cond3A_8 = arith.cmpi ne, %convert_element_type3A_6, %cond3A_7 : i32
    scf.if %cond3A_8 {
      %get3A_36 = arith.constant 0 : index
      %get3A_37 = arith.constant 0 : index
      %get3A_38 = vector.load %arg2[%get3A_36, %get3A_37] : memref<512x256xf32, #tpu.memory_space<vmem>>, vector<512x256xf32>
      %convert_element_type3A_39 = arith.truncf %get3A_38 : vector<512x256xf32> to vector<512x256xbf16>
      %mul3A_40 = arith.mulf %get3A_38, %get3A_38 : vector<512x256xf32>
      %reduce_sum3A_41 = arith.constant dense<0.000000e+00> : vector<512xf32>
      %reduce_sum3A_42 = vector.multi_reduction <add>, %mul3A_40, %reduce_sum3A_41 [1] : vector<512x256xf32> to vector<512xf32>
      %broadcast_in_dim3A_43 = vector.shape_cast %reduce_sum3A_42 : vector<512xf32> to vector<512x1xf32>
      %broadcast_in_dim3A_44 = arith.constant 0x7F800000 : f32
      %broadcast_in_dim3A_45 = vector.broadcast %broadcast_in_dim3A_44 : f32 to vector<512xf32>
      %broadcast_in_dim3A_46 = arith.constant 0 : i32
      %broadcast_in_dim3A_47 = vector.broadcast %broadcast_in_dim3A_46 : i32 to vector<512xi32>
      %iota3A_48 = tpu.iota {dimensions = array<i32: 1>} : vector<512x512xi32>
      %convert_element_type3A_49 = arith.sitofp %iota3A_48 : vector<512x512xi32> to vector<512x512xf32>
      %get3A_50 = arith.constant 0 : index
      %get3A_51 = arith.constant 0 : index
      %get3A_52 = vector.load %arg3[%get3A_50, %get3A_51] : memref<8192x256xf32, #tpu.memory_space<vmem>>, vector<512x256xf32>
      %get3A_53 = arith.constant 0 : index
      %get3A_54 = arith.constant 0 : index
      %get3A_55 = vector.load %arg10[%get3A_53, %get3A_54] : memref<1x8192xf32, #tpu.memory_space<vmem>>, vector<1x512xf32>
      %get3A_56 = vector.shape_cast %get3A_55 : vector<1x512xf32> to vector<512xf32>
      %broadcast_in_dim3A_57 = vector.shape_cast %get3A_56 : vector<512xf32> to vector<1x512xf32>
      %convert_element_type3A_58 = arith.truncf %get3A_52 : vector<512x256xf32> to vector<512x256xbf16>
      %dot_general3A = arith.constant dense<0.000000e+00> : vector<512x512xf32>
      %dot_general3A_59 = tpu.matmul %convert_element_type3A_39, %convert_element_type3A_58, %dot_general3A {dimension_numbers = #tpu.dot_dimension_numbers<[1], [1], [0], [0], [0, 0, 1, 0], [], []>, transpose_lhs_hint = false} : vector<512x256xbf16>, vector<512x256xbf16>, vector<512x512xf32> -> vector<512x512xf32>
      %add3A_60 = vector.broadcast %broadcast_in_dim3A_43 : vector<512x1xf32> to vector<512x512xf32>
      %add3A_61 = vector.broadcast %broadcast_in_dim3A_57 : vector<1x512xf32> to vector<512x512xf32>
      %add3A_62 = arith.addf %add3A_60, %add3A_61 : vector<512x512xf32>
      %mul3A_63 = arith.constant 2.000000e+00 : f32
      %mul3A_64 = vector.broadcast %mul3A_63 : f32 to vector<512x512xf32>
      %mul3A_65 = arith.mulf %mul3A_64, %dot_general3A_59 : vector<512x512xf32>
      %sub3A = arith.subf %add3A_62, %mul3A_65 : vector<512x512xf32>
      %swap3A_66 = arith.constant 0 : index
      %swap3A_67 = arith.constant 0 : index
      %swap3A_68 = vector.load %arg11[%swap3A_66, %swap3A_67] : memref<512x4096xf32, #tpu.memory_space<vmem>>, vector<512x512xf32>
      tpu.vector_store %arg11[%swap3A_66, %swap3A_67], %sub3A {strides = array<i32>} : memref<512x4096xf32, #tpu.memory_space<vmem>>, vector<512x512xf32>,
      %get3A_69 = arith.constant 512 : index
      %get3A_70 = arith.constant 0 : index
      %get3A_71 = vector.load %arg3[%get3A_69, %get3A_70] : memref<8192x256xf32, #tpu.memory_space<vmem>>, vector<512x256xf32>
      %get3A_72 = arith.constant 0 : index
      %get3A_73 = arith.constant 512 : index
      %get3A_74 = vector.load %arg10[%get3A_72, %get3A_73] : memref<1x8192xf32, #tpu.memory_space<vmem>>, vector<1x512xf32>
      %get3A_75 = vector.shape_cast %get3A_74 : vector<1x512xf32> to vector<512xf32>
      %broadcast_in_dim3A_76 = vector.shape_cast %get3A_75 : vector<512xf32> to vector<1x512xf32>
      %convert_element_type3A_77 = arith.truncf %get3A_71 : vector<512x256xf32> to vector<512x256xbf16>
      %dot_general3A_78 = arith.constant dense<0.000000e+00> : vector<512x512xf32>
      %dot_general3A_79 = tpu.matmul %convert_element_type3A_39, %convert_element_type3A_77, %dot_general3A_78 {dimension_numbers = #tpu.dot_dimension_numbers<[1], [1], [0], [0], [0, 0, 1, 0], [], []>, transpose_lhs_hint = false} : vector<512x256xbf16>, vector<512x256xbf16>, vector<512x512xf32> -> vector<512x512xf32>
      %add3A_80 = vector.broadcast %broadcast_in_dim3A_43 : vector<512x1xf32> to vector<512x512xf32>
      %add3A_81 = vector.broadcast %broadcast_in_dim3A_76 : vector<1x512xf32> to vector<512x512xf32>
      %add3A_82 = arith.addf %add3A_80, %add3A_81 : vector<512x512xf32>
      %mul3A_83 = arith.constant 2.000000e+00 : f32
      %mul3A_84 = vector.broadcast %mul3A_83 : f32 to vector<512x512xf32>
      %mul3A_85 = arith.mulf %mul3A_84, %dot_general3A_79 : vector<512x512xf32>
      %sub3A_86 = arith.subf %add3A_82, %mul3A_85 : vector<512x512xf32>
      %swap3A_87 = arith.constant 0 : index
      %swap3A_88 = arith.constant 512 : index
      %swap3A_89 = vector.load %arg11[%swap3A_87, %swap3A_88] : memref<512x4096xf32, #tpu.memory_space<vmem>>, vector<512x512xf32>
      tpu.vector_store %arg11[%swap3A_87, %swap3A_88], %sub3A_86 {strides = array<i32>} : memref<512x4096xf32, #tpu.memory_space<vmem>>, vector<512x512xf32>,
      %min3A = arith.minimumf %sub3A, %sub3A_86 : vector<512x512xf32>
      %get3A_90 = arith.constant 1024 : index
      %get3A_91 = arith.constant 0 : index
      %get3A_92 = vector.load %arg3[%get3A_90, %get3A_91] : memref<8192x256xf32, #tpu.memory_space<vmem>>, vector<512x256xf32>
      %get3A_93 = arith.constant 0 : index
      %get3A_94 = arith.constant 1024 : index
      %get3A_95 = vector.load %arg10[%get3A_93, %get3A_94] : memref<1x8192xf32, #tpu.memory_space<vmem>>, vector<1x512xf32>
      %get3A_96 = vector.shape_cast %get3A_95 : vector<1x512xf32> to vector<512xf32>
      %broadcast_in_dim3A_97 = vector.shape_cast %get3A_96 : vector<512xf32> to vector<1x512xf32>
      %convert_element_type3A_98 = arith.truncf %get3A_92 : vector<512x256xf32> to vector<512x256xbf16>
      %dot_general3A_99 = arith.constant dense<0.000000e+00> : vector<512x512xf32>
      %dot_general3A_100 = tpu.matmul %convert_element_type3A_39, %convert_element_type3A_98, %dot_general3A_99 {dimension_numbers = #tpu.dot_dimension_numbers<[1], [1], [0], [0], [0, 0, 1, 0], [], []>, transpose_lhs_hint = false} : vector<512x256xbf16>, vector<512x256xbf16>, vector<512x512xf32> -> vector<512x512xf32>
      %add3A_101 = vector.broadcast %broadcast_in_dim3A_43 : vector<512x1xf32> to vector<512x512xf32>
      %add3A_102 = vector.broadcast %broadcast_in_dim3A_97 : vector<1x512xf32> to vector<512x512xf32>
      %add3A_103 = arith.addf %add3A_101, %add3A_102 : vector<512x512xf32>
      %mul3A_104 = arith.constant 2.000000e+00 : f32
      %mul3A_105 = vector.broadcast %mul3A_104 : f32 to vector<512x512xf32>
      %mul3A_106 = arith.mulf %mul3A_105, %dot_general3A_100 : vector<512x512xf32>
      %sub3A_107 = arith.subf %add3A_103, %mul3A_106 : vector<512x512xf32>
      %swap3A_108 = arith.constant 0 : index
      %swap3A_109 = arith.constant 1024 : index
      %swap3A_110 = vector.load %arg11[%swap3A_108, %swap3A_109] : memref<512x4096xf32, #tpu.memory_space<vmem>>, vector<512x512xf32>
      tpu.vector_store %arg11[%swap3A_108, %swap3A_109], %sub3A_107 {strides = array<i32>} : memref<512x4096xf32, #tpu.memory_space<vmem>>, vector<512x512xf32>,
      %min3A_111 = arith.minimumf %min3A, %sub3A_107 : vector<512x512xf32>
      %get3A_112 = arith.constant 1536 : index
      %get3A_113 = arith.constant 0 : index
      %get3A_114 = vector.load %arg3[%get3A_112, %get3A_113] : memref<8192x256xf32, #tpu.memory_space<vmem>>, vector<512x256xf32>
      %get3A_115 = arith.constant 0 : index
      %get3A_116 = arith.constant 1536 : index
      %get3A_117 = vector.load %arg10[%get3A_115, %get3A_116] : memref<1x8192xf32, #tpu.memory_space<vmem>>, vector<1x512xf32>
      %get3A_118 = vector.shape_cast %get3A_117 : vector<1x512xf32> to vector<512xf32>
      %broadcast_in_dim3A_119 = vector.shape_cast %get3A_118 : vector<512xf32> to vector<1x512xf32>
      %convert_element_type3A_120 = arith.truncf %get3A_114 : vector<512x256xf32> to vector<512x256xbf16>
      %dot_general3A_121 = arith.constant dense<0.000000e+00> : vector<512x512xf32>
      %dot_general3A_122 = tpu.matmul %convert_element_type3A_39, %convert_element_type3A_120, %dot_general3A_121 {dimension_numbers = #tpu.dot_dimension_numbers<[1], [1], [0], [0], [0, 0, 1, 0], [], []>, transpose_lhs_hint = false} : vector<512x256xbf16>, vector<512x256xbf16>, vector<512x512xf32> -> vector<512x512xf32>
      %add3A_123 = vector.broadcast %broadcast_in_dim3A_43 : vector<512x1xf32> to vector<512x512xf32>
      %add3A_124 = vector.broadcast %broadcast_in_dim3A_119 : vector<1x512xf32> to vector<512x512xf32>
      %add3A_125 = arith.addf %add3A_123, %add3A_124 : vector<512x512xf32>
      %mul3A_126 = arith.constant 2.000000e+00 : f32
      %mul3A_127 = vector.broadcast %mul3A_126 : f32 to vector<512x512xf32>
      %mul3A_128 = arith.mulf %mul3A_127, %dot_general3A_122 : vector<512x512xf32>
      %sub3A_129 = arith.subf %add3A_125, %mul3A_128 : vector<512x512xf32>
      %swap3A_130 = arith.constant 0 : index
      %swap3A_131 = arith.constant 1536 : index
      %swap3A_132 = vector.load %arg11[%swap3A_130, %swap3A_131] : memref<512x4096xf32, #tpu.memory_space<vmem>>, vector<512x512xf32>
      tpu.vector_store %arg11[%swap3A_130, %swap3A_131], %sub3A_129 {strides = array<i32>} : memref<512x4096xf32, #tpu.memory_space<vmem>>, vector<512x512xf32>,
      %min3A_133 = arith.minimumf %min3A_111, %sub3A_129 : vector<512x512xf32>
      %get3A_134 = arith.constant 2048 : index
      %get3A_135 = arith.constant 0 : index
      %get3A_136 = vector.load %arg3[%get3A_134, %get3A_135] : memref<8192x256xf32, #tpu.memory_space<vmem>>, vector<512x256xf32>
      %get3A_137 = arith.constant 0 : index
      %get3A_138 = arith.constant 2048 : index
      %get3A_139 = vector.load %arg10[%get3A_137, %get3A_138] : memref<1x8192xf32, #tpu.memory_space<vmem>>, vector<1x512xf32>
      %get3A_140 = vector.shape_cast %get3A_139 : vector<1x512xf32> to vector<512xf32>
      %broadcast_in_dim3A_141 = vector.shape_cast %get3A_140 : vector<512xf32> to vector<1x512xf32>
      %convert_element_type3A_142 = arith.truncf %get3A_136 : vector<512x256xf32> to vector<512x256xbf16>
      %dot_general3A_143 = arith.constant dense<0.000000e+00> : vector<512x512xf32>
      %dot_general3A_144 = tpu.matmul %convert_element_type3A_39, %convert_element_type3A_142, %dot_general3A_143 {dimension_numbers = #tpu.dot_dimension_numbers<[1], [1], [0], [0], [0, 0, 1, 0], [], []>, transpose_lhs_hint = false} : vector<512x256xbf16>, vector<512x256xbf16>, vector<512x512xf32> -> vector<512x512xf32>
      %add3A_145 = vector.broadcast %broadcast_in_dim3A_43 : vector<512x1xf32> to vector<512x512xf32>
      %add3A_146 = vector.broadcast %broadcast_in_dim3A_141 : vector<1x512xf32> to vector<512x512xf32>
      %add3A_147 = arith.addf %add3A_145, %add3A_146 : vector<512x512xf32>
      %mul3A_148 = arith.constant 2.000000e+00 : f32
      %mul3A_149 = vector.broadcast %mul3A_148 : f32 to vector<512x512xf32>
      %mul3A_150 = arith.mulf %mul3A_149, %dot_general3A_144 : vector<512x512xf32>
      %sub3A_151 = arith.subf %add3A_147, %mul3A_150 : vector<512x512xf32>
      %swap3A_152 = arith.constant 0 : index
      %swap3A_153 = arith.constant 2048 : index
      %swap3A_154 = vector.load %arg11[%swap3A_152, %swap3A_153] : memref<512x4096xf32, #tpu.memory_space<vmem>>, vector<512x512xf32>
      tpu.vector_store %arg11[%swap3A_152, %swap3A_153], %sub3A_151 {strides = array<i32>} : memref<512x4096xf32, #tpu.memory_space<vmem>>, vector<512x512xf32>,
      %min3A_155 = arith.minimumf %min3A_133, %sub3A_151 : vector<512x512xf32>
      %get3A_156 = arith.constant 2560 : index
      %get3A_157 = arith.constant 0 : index
      %get3A_158 = vector.load %arg3[%get3A_156, %get3A_157] : memref<8192x256xf32, #tpu.memory_space<vmem>>, vector<512x256xf32>
      %get3A_159 = arith.constant 0 : index
      %get3A_160 = arith.constant 2560 : index
      %get3A_161 = vector.load %arg10[%get3A_159, %get3A_160] : memref<1x8192xf32, #tpu.memory_space<vmem>>, vector<1x512xf32>
      %get3A_162 = vector.shape_cast %get3A_161 : vector<1x512xf32> to vector<512xf32>
      %broadcast_in_dim3A_163 = vector.shape_cast %get3A_162 : vector<512xf32> to vector<1x512xf32>
      %convert_element_type3A_164 = arith.truncf %get3A_158 : vector<512x256xf32> to vector<512x256xbf16>
      %dot_general3A_165 = arith.constant dense<0.000000e+00> : vector<512x512xf32>
      %dot_general3A_166 = tpu.matmul %convert_element_type3A_39, %convert_element_type3A_164, %dot_general3A_165 {dimension_numbers = #tpu.dot_dimension_numbers<[1], [1], [0], [0], [0, 0, 1, 0], [], []>, transpose_lhs_hint = false} : vector<512x256xbf16>, vector<512x256xbf16>, vector<512x512xf32> -> vector<512x512xf32>
      %add3A_167 = vector.broadcast %broadcast_in_dim3A_43 : vector<512x1xf32> to vector<512x512xf32>
      %add3A_168 = vector.broadcast %broadcast_in_dim3A_163 : vector<1x512xf32> to vector<512x512xf32>
      %add3A_169 = arith.addf %add3A_167, %add3A_168 : vector<512x512xf32>
      %mul3A_170 = arith.constant 2.000000e+00 : f32
      %mul3A_171 = vector.broadcast %mul3A_170 : f32 to vector<512x512xf32>
      %mul3A_172 = arith.mulf %mul3A_171, %dot_general3A_166 : vector<512x512xf32>
      %sub3A_173 = arith.subf %add3A_169, %mul3A_172 : vector<512x512xf32>
      %swap3A_174 = arith.constant 0 : index
      %swap3A_175 = arith.constant 2560 : index
      %swap3A_176 = vector.load %arg11[%swap3A_174, %swap3A_175] : memref<512x4096xf32, #tpu.memory_space<vmem>>, vector<512x512xf32>
      tpu.vector_store %arg11[%swap3A_174, %swap3A_175], %sub3A_173 {strides = array<i32>} : memref<512x4096xf32, #tpu.memory_space<vmem>>, vector<512x512xf32>,
      %min3A_177 = arith.minimumf %min3A_155, %sub3A_173 : vector<512x512xf32>
      %get3A_178 = arith.constant 3072 : index
      %get3A_179 = arith.constant 0 : index
      %get3A_180 = vector.load %arg3[%get3A_178, %get3A_179] : memref<8192x256xf32, #tpu.memory_space<vmem>>, vector<512x256xf32>
      %get3A_181 = arith.constant 0 : index
      %get3A_182 = arith.constant 3072 : index
      %get3A_183 = vector.load %arg10[%get3A_181, %get3A_182] : memref<1x8192xf32, #tpu.memory_space<vmem>>, vector<1x512xf32>
      %get3A_184 = vector.shape_cast %get3A_183 : vector<1x512xf32> to vector<512xf32>
      %broadcast_in_dim3A_185 = vector.shape_cast %get3A_184 : vector<512xf32> to vector<1x512xf32>
      %convert_element_type3A_186 = arith.truncf %get3A_180 : vector<512x256xf32> to vector<512x256xbf16>
      %dot_general3A_187 = arith.constant dense<0.000000e+00> : vector<512x512xf32>
      %dot_general3A_188 = tpu.matmul %convert_element_type3A_39, %convert_element_type3A_186, %dot_general3A_187 {dimension_numbers = #tpu.dot_dimension_numbers<[1], [1], [0], [0], [0, 0, 1, 0], [], []>, transpose_lhs_hint = false} : vector<512x256xbf16>, vector<512x256xbf16>, vector<512x512xf32> -> vector<512x512xf32>
      %add3A_189 = vector.broadcast %broadcast_in_dim3A_43 : vector<512x1xf32> to vector<512x512xf32>
      %add3A_190 = vector.broadcast %broadcast_in_dim3A_185 : vector<1x512xf32> to vector<512x512xf32>
      %add3A_191 = arith.addf %add3A_189, %add3A_190 : vector<512x512xf32>
      %mul3A_192 = arith.constant 2.000000e+00 : f32
      %mul3A_193 = vector.broadcast %mul3A_192 : f32 to vector<512x512xf32>
      %mul3A_194 = arith.mulf %mul3A_193, %dot_general3A_188 : vector<512x512xf32>
      %sub3A_195 = arith.subf %add3A_191, %mul3A_194 : vector<512x512xf32>
      %swap3A_196 = arith.constant 0 : index
      %swap3A_197 = arith.constant 3072 : index
      %swap3A_198 = vector.load %arg11[%swap3A_196, %swap3A_197] : memref<512x4096xf32, #tpu.memory_space<vmem>>, vector<512x512xf32>
      tpu.vector_store %arg11[%swap3A_196, %swap3A_197], %sub3A_195 {strides = array<i32>} : memref<512x4096xf32, #tpu.memory_space<vmem>>, vector<512x512xf32>,
      %min3A_199 = arith.minimumf %min3A_177, %sub3A_195 : vector<512x512xf32>
      %get3A_200 = arith.constant 3584 : index
      %get3A_201 = arith.constant 0 : index
      %get3A_202 = vector.load %arg3[%get3A_200, %get3A_201] : memref<8192x256xf32, #tpu.memory_space<vmem>>, vector<512x256xf32>
      %get3A_203 = arith.constant 0 : index
      %get3A_204 = arith.constant 3584 : index
      %get3A_205 = vector.load %arg10[%get3A_203, %get3A_204] : memref<1x8192xf32, #tpu.memory_space<vmem>>, vector<1x512xf32>
      %get3A_206 = vector.shape_cast %get3A_205 : vector<1x512xf32> to vector<512xf32>
      %broadcast_in_dim3A_207 = vector.shape_cast %get3A_206 : vector<512xf32> to vector<1x512xf32>
      %convert_element_type3A_208 = arith.truncf %get3A_202 : vector<512x256xf32> to vector<512x256xbf16>
      %dot_general3A_209 = arith.constant dense<0.000000e+00> : vector<512x512xf32>
      %dot_general3A_210 = tpu.matmul %convert_element_type3A_39, %convert_element_type3A_208, %dot_general3A_209 {dimension_numbers = #tpu.dot_dimension_numbers<[1], [1], [0], [0], [0, 0, 1, 0], [], []>, transpose_lhs_hint = false} : vector<512x256xbf16>, vector<512x256xbf16>, vector<512x512xf32> -> vector<512x512xf32>
      %add3A_211 = vector.broadcast %broadcast_in_dim3A_43 : vector<512x1xf32> to vector<512x512xf32>
      %add3A_212 = vector.broadcast %broadcast_in_dim3A_207 : vector<1x512xf32> to vector<512x512xf32>
      %add3A_213 = arith.addf %add3A_211, %add3A_212 : vector<512x512xf32>
      %mul3A_214 = arith.constant 2.000000e+00 : f32
      %mul3A_215 = vector.broadcast %mul3A_214 : f32 to vector<512x512xf32>
      %mul3A_216 = arith.mulf %mul3A_215, %dot_general3A_210 : vector<512x512xf32>
      %sub3A_217 = arith.subf %add3A_213, %mul3A_216 : vector<512x512xf32>
      %swap3A_218 = arith.constant 0 : index
      %swap3A_219 = arith.constant 3584 : index
      %swap3A_220 = vector.load %arg11[%swap3A_218, %swap3A_219] : memref<512x4096xf32, #tpu.memory_space<vmem>>, vector<512x512xf32>
      tpu.vector_store %arg11[%swap3A_218, %swap3A_219], %sub3A_217 {strides = array<i32>} : memref<512x4096xf32, #tpu.memory_space<vmem>>, vector<512x512xf32>,
      %min3A_221 = arith.minimumf %min3A_199, %sub3A_217 : vector<512x512xf32>
      %reduce_min3A = arith.constant dense<0x7F800000> : vector<512xf32>
      %reduce_min3A_222 = vector.multi_reduction <minimumf>, %min3A_221, %reduce_min3A [1] : vector<512x512xf32> to vector<512xf32>
      %get3A_223 = arith.constant 0 : index
      %get3A_224 = arith.constant 0 : index
      %get3A_225 = vector.load %arg11[%get3A_223, %get3A_224] : memref<512x4096xf32, #tpu.memory_space<vmem>>, vector<512x512xf32>
      %add3A_226 = arith.constant 0.000000e+00 : f32
      %add3A_227 = vector.broadcast %add3A_226 : f32 to vector<512x512xf32>
      %add3A_228 = arith.addf %convert_element_type3A_49, %add3A_227 : vector<512x512xf32>
      %broadcast_in_dim3A_229 = vector.shape_cast %reduce_min3A_222 : vector<512xf32> to vector<512x1xf32>
      %eq3A_230 = vector.broadcast %broadcast_in_dim3A_229 : vector<512x1xf32> to vector<512x512xf32>
      %eq3A_231 = arith.cmpf oeq, %get3A_225, %eq3A_230 : vector<512x512xf32>
      %jit3A = arith.constant 8.192000e+03 : f32
      %broadcast_in_dim3A_232 = vector.broadcast %jit3A : f32 to vector<512x512xf32>
      %select_n3A = arith.select %eq3A_231, %add3A_228, %broadcast_in_dim3A_232 : vector<512x512xi1>, vector<512x512xf32>
      %get3A_233 = arith.constant 0 : index
      %get3A_234 = arith.constant 512 : index
      %get3A_235 = vector.load %arg11[%get3A_233, %get3A_234] : memref<512x4096xf32, #tpu.memory_space<vmem>>, vector<512x512xf32>
      %add3A_236 = arith.constant 5.120000e+02 : f32
      %add3A_237 = vector.broadcast %add3A_236 : f32 to vector<512x512xf32>
      %add3A_238 = arith.addf %convert_element_type3A_49, %add3A_237 : vector<512x512xf32>
      %broadcast_in_dim3A_239 = vector.shape_cast %reduce_min3A_222 : vector<512xf32> to vector<512x1xf32>
      %eq3A_240 = vector.broadcast %broadcast_in_dim3A_239 : vector<512x1xf32> to vector<512x512xf32>
      %eq3A_241 = arith.cmpf oeq, %get3A_235, %eq3A_240 : vector<512x512xf32>
      %jit3A_242 = arith.constant 8.192000e+03 : f32
      %broadcast_in_dim3A_243 = vector.broadcast %jit3A_242 : f32 to vector<512x512xf32>
      %select_n3A_244 = arith.select %eq3A_241, %add3A_238, %broadcast_in_dim3A_243 : vector<512x512xi1>, vector<512x512xf32>
      %min3A_245 = arith.minimumf %select_n3A, %select_n3A_244 : vector<512x512xf32>
      %get3A_246 = arith.constant 0 : index
      %get3A_247 = arith.constant 1024 : index
      %get3A_248 = vector.load %arg11[%get3A_246, %get3A_247] : memref<512x4096xf32, #tpu.memory_space<vmem>>, vector<512x512xf32>
      %add3A_249 = arith.constant 1.024000e+03 : f32
      %add3A_250 = vector.broadcast %add3A_249 : f32 to vector<512x512xf32>
      %add3A_251 = arith.addf %convert_element_type3A_49, %add3A_250 : vector<512x512xf32>
      %broadcast_in_dim3A_252 = vector.shape_cast %reduce_min3A_222 : vector<512xf32> to vector<512x1xf32>
      %eq3A_253 = vector.broadcast %broadcast_in_dim3A_252 : vector<512x1xf32> to vector<512x512xf32>
      %eq3A_254 = arith.cmpf oeq, %get3A_248, %eq3A_253 : vector<512x512xf32>
      %jit3A_255 = arith.constant 8.192000e+03 : f32
      %broadcast_in_dim3A_256 = vector.broadcast %jit3A_255 : f32 to vector<512x512xf32>
      %select_n3A_257 = arith.select %eq3A_254, %add3A_251, %broadcast_in_dim3A_256 : vector<512x512xi1>, vector<512x512xf32>
      %min3A_258 = arith.minimumf %min3A_245, %select_n3A_257 : vector<512x512xf32>
      %get3A_259 = arith.constant 0 : index
      %get3A_260 = arith.constant 1536 : index
      %get3A_261 = vector.load %arg11[%get3A_259, %get3A_260] : memref<512x4096xf32, #tpu.memory_space<vmem>>, vector<512x512xf32>
      %add3A_262 = arith.constant 1.536000e+03 : f32
      %add3A_263 = vector.broadcast %add3A_262 : f32 to vector<512x512xf32>
      %add3A_264 = arith.addf %convert_element_type3A_49, %add3A_263 : vector<512x512xf32>
      %broadcast_in_dim3A_265 = vector.shape_cast %reduce_min3A_222 : vector<512xf32> to vector<512x1xf32>
      %eq3A_266 = vector.broadcast %broadcast_in_dim3A_265 : vector<512x1xf32> to vector<512x512xf32>
      %eq3A_267 = arith.cmpf oeq, %get3A_261, %eq3A_266 : vector<512x512xf32>
      %jit3A_268 = arith.constant 8.192000e+03 : f32
      %broadcast_in_dim3A_269 = vector.broadcast %jit3A_268 : f32 to vector<512x512xf32>
      %select_n3A_270 = arith.select %eq3A_267, %add3A_264, %broadcast_in_dim3A_269 : vector<512x512xi1>, vector<512x512xf32>
      %min3A_271 = arith.minimumf %min3A_258, %select_n3A_270 : vector<512x512xf32>
      %get3A_272 = arith.constant 0 : index
      %get3A_273 = arith.constant 2048 : index
      %get3A_274 = vector.load %arg11[%get3A_272, %get3A_273] : memref<512x4096xf32, #tpu.memory_space<vmem>>, vector<512x512xf32>
      %add3A_275 = arith.constant 2.048000e+03 : f32
      %add3A_276 = vector.broadcast %add3A_275 : f32 to vector<512x512xf32>
      %add3A_277 = arith.addf %convert_element_type3A_49, %add3A_276 : vector<512x512xf32>
      %broadcast_in_dim3A_278 = vector.shape_cast %reduce_min3A_222 : vector<512xf32> to vector<512x1xf32>
      %eq3A_279 = vector.broadcast %broadcast_in_dim3A_278 : vector<512x1xf32> to vector<512x512xf32>
      %eq3A_280 = arith.cmpf oeq, %get3A_274, %eq3A_279 : vector<512x512xf32>
      %jit3A_281 = arith.constant 8.192000e+03 : f32
      %broadcast_in_dim3A_282 = vector.broadcast %jit3A_281 : f32 to vector<512x512xf32>
      %select_n3A_283 = arith.select %eq3A_280, %add3A_277, %broadcast_in_dim3A_282 : vector<512x512xi1>, vector<512x512xf32>
      %min3A_284 = arith.minimumf %min3A_271, %select_n3A_283 : vector<512x512xf32>
      %get3A_285 = arith.constant 0 : index
      %get3A_286 = arith.constant 2560 : index
      %get3A_287 = vector.load %arg11[%get3A_285, %get3A_286] : memref<512x4096xf32, #tpu.memory_space<vmem>>, vector<512x512xf32>
      %add3A_288 = arith.constant 2.560000e+03 : f32
      %add3A_289 = vector.broadcast %add3A_288 : f32 to vector<512x512xf32>
      %add3A_290 = arith.addf %convert_element_type3A_49, %add3A_289 : vector<512x512xf32>
      %broadcast_in_dim3A_291 = vector.shape_cast %reduce_min3A_222 : vector<512xf32> to vector<512x1xf32>
      %eq3A_292 = vector.broadcast %broadcast_in_dim3A_291 : vector<512x1xf32> to vector<512x512xf32>
      %eq3A_293 = arith.cmpf oeq, %get3A_287, %eq3A_292 : vector<512x512xf32>
      %jit3A_294 = arith.constant 8.192000e+03 : f32
      %broadcast_in_dim3A_295 = vector.broadcast %jit3A_294 : f32 to vector<512x512xf32>
      %select_n3A_296 = arith.select %eq3A_293, %add3A_290, %broadcast_in_dim3A_295 : vector<512x512xi1>, vector<512x512xf32>
      %min3A_297 = arith.minimumf %min3A_284, %select_n3A_296 : vector<512x512xf32>
      %get3A_298 = arith.constant 0 : index
      %get3A_299 = arith.constant 3072 : index
      %get3A_300 = vector.load %arg11[%get3A_298, %get3A_299] : memref<512x4096xf32, #tpu.memory_space<vmem>>, vector<512x512xf32>
      %add3A_301 = arith.constant 3.072000e+03 : f32
      %add3A_302 = vector.broadcast %add3A_301 : f32 to vector<512x512xf32>
      %add3A_303 = arith.addf %convert_element_type3A_49, %add3A_302 : vector<512x512xf32>
      %broadcast_in_dim3A_304 = vector.shape_cast %reduce_min3A_222 : vector<512xf32> to vector<512x1xf32>
      %eq3A_305 = vector.broadcast %broadcast_in_dim3A_304 : vector<512x1xf32> to vector<512x512xf32>
      %eq3A_306 = arith.cmpf oeq, %get3A_300, %eq3A_305 : vector<512x512xf32>
      %jit3A_307 = arith.constant 8.192000e+03 : f32
      %broadcast_in_dim3A_308 = vector.broadcast %jit3A_307 : f32 to vector<512x512xf32>
      %select_n3A_309 = arith.select %eq3A_306, %add3A_303, %broadcast_in_dim3A_308 : vector<512x512xi1>, vector<512x512xf32>
      %min3A_310 = arith.minimumf %min3A_297, %select_n3A_309 : vector<512x512xf32>
      %get3A_311 = arith.constant 0 : index
      %get3A_312 = arith.constant 3584 : index
      %get3A_313 = vector.load %arg11[%get3A_311, %get3A_312] : memref<512x4096xf32, #tpu.memory_space<vmem>>, vector<512x512xf32>
      %add3A_314 = arith.constant 3.584000e+03 : f32
      %add3A_315 = vector.broadcast %add3A_314 : f32 to vector<512x512xf32>
      %add3A_316 = arith.addf %convert_element_type3A_49, %add3A_315 : vector<512x512xf32>
      %broadcast_in_dim3A_317 = vector.shape_cast %reduce_min3A_222 : vector<512xf32> to vector<512x1xf32>
      %eq3A_318 = vector.broadcast %broadcast_in_dim3A_317 : vector<512x1xf32> to vector<512x512xf32>
      %eq3A_319 = arith.cmpf oeq, %get3A_313, %eq3A_318 : vector<512x512xf32>
      %jit3A_320 = arith.constant 8.192000e+03 : f32
      %broadcast_in_dim3A_321 = vector.broadcast %jit3A_320 : f32 to vector<512x512xf32>
      %select_n3A_322 = arith.select %eq3A_319, %add3A_316, %broadcast_in_dim3A_321 : vector<512x512xi1>, vector<512x512xf32>
      %min3A_323 = arith.minimumf %min3A_310, %select_n3A_322 : vector<512x512xf32>
      %reduce_min3A_324 = arith.constant dense<0x7F800000> : vector<512xf32>
      %reduce_min3A_325 = vector.multi_reduction <minimumf>, %min3A_323, %reduce_min3A_324 [1] : vector<512x512xf32> to vector<512xf32>
      %convert_element_type3A_326 = arith.fptosi %reduce_min3A_325 : vector<512xf32> to vector<512xi32>
      %lt3A = arith.cmpf olt, %reduce_min3A_222, %broadcast_in_dim3A_45 : vector<512xf32>
      %eq3A_327 = arith.cmpf oeq, %reduce_min3A_222, %broadcast_in_dim3A_45 : vector<512xf32>
      %lt3A_328 = arith.cmpi slt, %convert_element_type3A_326, %broadcast_in_dim3A_47 : vector<512xi32>
      %and3A_329 = arith.andi %eq3A_327, %lt3A_328 : vector<512xi1>
      %or3A = arith.ori %lt3A, %and3A_329 : vector<512xi1>
      %select_n3A_330 = arith.select %or3A, %convert_element_type3A_326, %broadcast_in_dim3A_47 : vector<512xi1>, vector<512xi32>
      %convert_element_type3A_331 = arith.truncf %reduce_min3A_222 : vector<512xf32> to vector<512xbf16>
      %convert_element_type3A_332 = arith.extf %convert_element_type3A_331 : vector<512xbf16> to vector<512xf32>
      %select_n3A_333 = arith.select %lt3A, %convert_element_type3A_332, %broadcast_in_dim3A_45 : vector<512xi1>, vector<512xf32>
      %get3A_334 = arith.constant 4096 : index
      %get3A_335 = arith.constant 0 : index
      %get3A_336 = vector.load %arg3[%get3A_334, %get3A_335] : memref<8192x256xf32, #tpu.memory_space<vmem>>, vector<512x256xf32>
      %get3A_337 = arith.constant 0 : index
      %get3A_338 = arith.constant 4096 : index
      %get3A_339 = vector.load %arg10[%get3A_337, %get3A_338] : memref<1x8192xf32, #tpu.memory_space<vmem>>, vector<1x512xf32>
      %get3A_340 = vector.shape_cast %get3A_339 : vector<1x512xf32> to vector<512xf32>
      %broadcast_in_dim3A_341 = vector.shape_cast %get3A_340 : vector<512xf32> to vector<1x512xf32>
      %convert_element_type3A_342 = arith.truncf %get3A_336 : vector<512x256xf32> to vector<512x256xbf16>
      %dot_general3A_343 = arith.constant dense<0.000000e+00> : vector<512x512xf32>
      %dot_general3A_344 = tpu.matmul %convert_element_type3A_39, %convert_element_type3A_342, %dot_general3A_343 {dimension_numbers = #tpu.dot_dimension_numbers<[1], [1], [0], [0], [0, 0, 1, 0], [], []>, transpose_lhs_hint = false} : vector<512x256xbf16>, vector<512x256xbf16>, vector<512x512xf32> -> vector<512x512xf32>
      %add3A_345 = vector.broadcast %broadcast_in_dim3A_43 : vector<512x1xf32> to vector<512x512xf32>
      %add3A_346 = vector.broadcast %broadcast_in_dim3A_341 : vector<1x512xf32> to vector<512x512xf32>
      %add3A_347 = arith.addf %add3A_345, %add3A_346 : vector<512x512xf32>
      %mul3A_348 = arith.constant 2.000000e+00 : f32
      %mul3A_349 = vector.broadcast %mul3A_348 : f32 to vector<512x512xf32>
      %mul3A_350 = arith.mulf %mul3A_349, %dot_general3A_344 : vector<512x512xf32>
      %sub3A_351 = arith.subf %add3A_347, %mul3A_350 : vector<512x512xf32>
      %swap3A_352 = arith.constant 0 : index
      %swap3A_353 = arith.constant 0 : index
      %swap3A_354 = vector.load %arg11[%swap3A_352, %swap3A_353] : memref<512x4096xf32, #tpu.memory_space<vmem>>, vector<512x512xf32>
      tpu.vector_store %arg11[%swap3A_352, %swap3A_353], %sub3A_351 {strides = array<i32>} : memref<512x4096xf32, #tpu.memory_space<vmem>>, vector<512x512xf32>,
      %get3A_355 = arith.constant 4608 : index
      %get3A_356 = arith.constant 0 : index
      %get3A_357 = vector.load %arg3[%get3A_355, %get3A_356] : memref<8192x256xf32, #tpu.memory_space<vmem>>, vector<512x256xf32>
      %get3A_358 = arith.constant 0 : index
      %get3A_359 = arith.constant 4608 : index
      %get3A_360 = vector.load %arg10[%get3A_358, %get3A_359] : memref<1x8192xf32, #tpu.memory_space<vmem>>, vector<1x512xf32>
      %get3A_361 = vector.shape_cast %get3A_360 : vector<1x512xf32> to vector<512xf32>
      %broadcast_in_dim3A_362 = vector.shape_cast %get3A_361 : vector<512xf32> to vector<1x512xf32>
      %convert_element_type3A_363 = arith.truncf %get3A_357 : vector<512x256xf32> to vector<512x256xbf16>
      %dot_general3A_364 = arith.constant dense<0.000000e+00> : vector<512x512xf32>
      %dot_general3A_365 = tpu.matmul %convert_element_type3A_39, %convert_element_type3A_363, %dot_general3A_364 {dimension_numbers = #tpu.dot_dimension_numbers<[1], [1], [0], [0], [0, 0, 1, 0], [], []>, transpose_lhs_hint = false} : vector<512x256xbf16>, vector<512x256xbf16>, vector<512x512xf32> -> vector<512x512xf32>
      %add3A_366 = vector.broadcast %broadcast_in_dim3A_43 : vector<512x1xf32> to vector<512x512xf32>
      %add3A_367 = vector.broadcast %broadcast_in_dim3A_362 : vector<1x512xf32> to vector<512x512xf32>
      %add3A_368 = arith.addf %add3A_366, %add3A_367 : vector<512x512xf32>
      %mul3A_369 = arith.constant 2.000000e+00 : f32
      %mul3A_370 = vector.broadcast %mul3A_369 : f32 to vector<512x512xf32>
      %mul3A_371 = arith.mulf %mul3A_370, %dot_general3A_365 : vector<512x512xf32>
      %sub3A_372 = arith.subf %add3A_368, %mul3A_371 : vector<512x512xf32>
      %swap3A_373 = arith.constant 0 : index
      %swap3A_374 = arith.constant 512 : index
      %swap3A_375 = vector.load %arg11[%swap3A_373, %swap3A_374] : memref<512x4096xf32, #tpu.memory_space<vmem>>, vector<512x512xf32>
      tpu.vector_store %arg11[%swap3A_373, %swap3A_374], %sub3A_372 {strides = array<i32>} : memref<512x4096xf32, #tpu.memory_space<vmem>>, vector<512x512xf32>,
      %min3A_376 = arith.minimumf %sub3A_351, %sub3A_372 : vector<512x512xf32>
      %get3A_377 = arith.constant 5120 : index
      %get3A_378 = arith.constant 0 : index
      %get3A_379 = vector.load %arg3[%get3A_377, %get3A_378] : memref<8192x256xf32, #tpu.memory_space<vmem>>, vector<512x256xf32>
      %get3A_380 = arith.constant 0 : index
      %get3A_381 = arith.constant 5120 : index
      %get3A_382 = vector.load %arg10[%get3A_380, %get3A_381] : memref<1x8192xf32, #tpu.memory_space<vmem>>, vector<1x512xf32>
      %get3A_383 = vector.shape_cast %get3A_382 : vector<1x512xf32> to vector<512xf32>
      %broadcast_in_dim3A_384 = vector.shape_cast %get3A_383 : vector<512xf32> to vector<1x512xf32>
      %convert_element_type3A_385 = arith.truncf %get3A_379 : vector<512x256xf32> to vector<512x256xbf16>
      %dot_general3A_386 = arith.constant dense<0.000000e+00> : vector<512x512xf32>
      %dot_general3A_387 = tpu.matmul %convert_element_type3A_39, %convert_element_type3A_385, %dot_general3A_386 {dimension_numbers = #tpu.dot_dimension_numbers<[1], [1], [0], [0], [0, 0, 1, 0], [], []>, transpose_lhs_hint = false} : vector<512x256xbf16>, vector<512x256xbf16>, vector<512x512xf32> -> vector<512x512xf32>
      %add3A_388 = vector.broadcast %broadcast_in_dim3A_43 : vector<512x1xf32> to vector<512x512xf32>
      %add3A_389 = vector.broadcast %broadcast_in_dim3A_384 : vector<1x512xf32> to vector<512x512xf32>
      %add3A_390 = arith.addf %add3A_388, %add3A_389 : vector<512x512xf32>
      %mul3A_391 = arith.constant 2.000000e+00 : f32
      %mul3A_392 = vector.broadcast %mul3A_391 : f32 to vector<512x512xf32>
      %mul3A_393 = arith.mulf %mul3A_392, %dot_general3A_387 : vector<512x512xf32>
      %sub3A_394 = arith.subf %add3A_390, %mul3A_393 : vector<512x512xf32>
      %swap3A_395 = arith.constant 0 : index
      %swap3A_396 = arith.constant 1024 : index
      %swap3A_397 = vector.load %arg11[%swap3A_395, %swap3A_396] : memref<512x4096xf32, #tpu.memory_space<vmem>>, vector<512x512xf32>
      tpu.vector_store %arg11[%swap3A_395, %swap3A_396], %sub3A_394 {strides = array<i32>} : memref<512x4096xf32, #tpu.memory_space<vmem>>, vector<512x512xf32>,
      %min3A_398 = arith.minimumf %min3A_376, %sub3A_394 : vector<512x512xf32>
      %get3A_399 = arith.constant 5632 : index
      %get3A_400 = arith.constant 0 : index
      %get3A_401 = vector.load %arg3[%get3A_399, %get3A_400] : memref<8192x256xf32, #tpu.memory_space<vmem>>, vector<512x256xf32>
      %get3A_402 = arith.constant 0 : index
      %get3A_403 = arith.constant 5632 : index
      %get3A_404 = vector.load %arg10[%get3A_402, %get3A_403] : memref<1x8192xf32, #tpu.memory_space<vmem>>, vector<1x512xf32>
      %get3A_405 = vector.shape_cast %get3A_404 : vector<1x512xf32> to vector<512xf32>
      %broadcast_in_dim3A_406 = vector.shape_cast %get3A_405 : vector<512xf32> to vector<1x512xf32>
      %convert_element_type3A_407 = arith.truncf %get3A_401 : vector<512x256xf32> to vector<512x256xbf16>
      %dot_general3A_408 = arith.constant dense<0.000000e+00> : vector<512x512xf32>
      %dot_general3A_409 = tpu.matmul %convert_element_type3A_39, %convert_element_type3A_407, %dot_general3A_408 {dimension_numbers = #tpu.dot_dimension_numbers<[1], [1], [0], [0], [0, 0, 1, 0], [], []>, transpose_lhs_hint = false} : vector<512x256xbf16>, vector<512x256xbf16>, vector<512x512xf32> -> vector<512x512xf32>
      %add3A_410 = vector.broadcast %broadcast_in_dim3A_43 : vector<512x1xf32> to vector<512x512xf32>
      %add3A_411 = vector.broadcast %broadcast_in_dim3A_406 : vector<1x512xf32> to vector<512x512xf32>
      %add3A_412 = arith.addf %add3A_410, %add3A_411 : vector<512x512xf32>
      %mul3A_413 = arith.constant 2.000000e+00 : f32
      %mul3A_414 = vector.broadcast %mul3A_413 : f32 to vector<512x512xf32>
      %mul3A_415 = arith.mulf %mul3A_414, %dot_general3A_409 : vector<512x512xf32>
      %sub3A_416 = arith.subf %add3A_412, %mul3A_415 : vector<512x512xf32>
      %swap3A_417 = arith.constant 0 : index
      %swap3A_418 = arith.constant 1536 : index
      %swap3A_419 = vector.load %arg11[%swap3A_417, %swap3A_418] : memref<512x4096xf32, #tpu.memory_space<vmem>>, vector<512x512xf32>
      tpu.vector_store %arg11[%swap3A_417, %swap3A_418], %sub3A_416 {strides = array<i32>} : memref<512x4096xf32, #tpu.memory_space<vmem>>, vector<512x512xf32>,
      %min3A_420 = arith.minimumf %min3A_398, %sub3A_416 : vector<512x512xf32>
      %get3A_421 = arith.constant 6144 : index
      %get3A_422 = arith.constant 0 : index
      %get3A_423 = vector.load %arg3[%get3A_421, %get3A_422] : memref<8192x256xf32, #tpu.memory_space<vmem>>, vector<512x256xf32>
      %get3A_424 = arith.constant 0 : index
      %get3A_425 = arith.constant 6144 : index
      %get3A_426 = vector.load %arg10[%get3A_424, %get3A_425] : memref<1x8192xf32, #tpu.memory_space<vmem>>, vector<1x512xf32>
      %get3A_427 = vector.shape_cast %get3A_426 : vector<1x512xf32> to vector<512xf32>
      %broadcast_in_dim3A_428 = vector.shape_cast %get3A_427 : vector<512xf32> to vector<1x512xf32>
      %convert_element_type3A_429 = arith.truncf %get3A_423 : vector<512x256xf32> to vector<512x256xbf16>
      %dot_general3A_430 = arith.constant dense<0.000000e+00> : vector<512x512xf32>
      %dot_general3A_431 = tpu.matmul %convert_element_type3A_39, %convert_element_type3A_429, %dot_general3A_430 {dimension_numbers = #tpu.dot_dimension_numbers<[1], [1], [0], [0], [0, 0, 1, 0], [], []>, transpose_lhs_hint = false} : vector<512x256xbf16>, vector<512x256xbf16>, vector<512x512xf32> -> vector<512x512xf32>
      %add3A_432 = vector.broadcast %broadcast_in_dim3A_43 : vector<512x1xf32> to vector<512x512xf32>
      %add3A_433 = vector.broadcast %broadcast_in_dim3A_428 : vector<1x512xf32> to vector<512x512xf32>
      %add3A_434 = arith.addf %add3A_432, %add3A_433 : vector<512x512xf32>
      %mul3A_435 = arith.constant 2.000000e+00 : f32
      %mul3A_436 = vector.broadcast %mul3A_435 : f32 to vector<512x512xf32>
      %mul3A_437 = arith.mulf %mul3A_436, %dot_general3A_431 : vector<512x512xf32>
      %sub3A_438 = arith.subf %add3A_434, %mul3A_437 : vector<512x512xf32>
      %swap3A_439 = arith.constant 0 : index
      %swap3A_440 = arith.constant 2048 : index
      %swap3A_441 = vector.load %arg11[%swap3A_439, %swap3A_440] : memref<512x4096xf32, #tpu.memory_space<vmem>>, vector<512x512xf32>
      tpu.vector_store %arg11[%swap3A_439, %swap3A_440], %sub3A_438 {strides = array<i32>} : memref<512x4096xf32, #tpu.memory_space<vmem>>, vector<512x512xf32>,
      %min3A_442 = arith.minimumf %min3A_420, %sub3A_438 : vector<512x512xf32>
      %get3A_443 = arith.constant 6656 : index
      %get3A_444 = arith.constant 0 : index
      %get3A_445 = vector.load %arg3[%get3A_443, %get3A_444] : memref<8192x256xf32, #tpu.memory_space<vmem>>, vector<512x256xf32>
      %get3A_446 = arith.constant 0 : index
      %get3A_447 = arith.constant 6656 : index
      %get3A_448 = vector.load %arg10[%get3A_446, %get3A_447] : memref<1x8192xf32, #tpu.memory_space<vmem>>, vector<1x512xf32>
      %get3A_449 = vector.shape_cast %get3A_448 : vector<1x512xf32> to vector<512xf32>
      %broadcast_in_dim3A_450 = vector.shape_cast %get3A_449 : vector<512xf32> to vector<1x512xf32>
      %convert_element_type3A_451 = arith.truncf %get3A_445 : vector<512x256xf32> to vector<512x256xbf16>
      %dot_general3A_452 = arith.constant dense<0.000000e+00> : vector<512x512xf32>
      %dot_general3A_453 = tpu.matmul %convert_element_type3A_39, %convert_element_type3A_451, %dot_general3A_452 {dimension_numbers = #tpu.dot_dimension_numbers<[1], [1], [0], [0], [0, 0, 1, 0], [], []>, transpose_lhs_hint = false} : vector<512x256xbf16>, vector<512x256xbf16>, vector<512x512xf32> -> vector<512x512xf32>
      %add3A_454 = vector.broadcast %broadcast_in_dim3A_43 : vector<512x1xf32> to vector<512x512xf32>
      %add3A_455 = vector.broadcast %broadcast_in_dim3A_450 : vector<1x512xf32> to vector<512x512xf32>
      %add3A_456 = arith.addf %add3A_454, %add3A_455 : vector<512x512xf32>
      %mul3A_457 = arith.constant 2.000000e+00 : f32
      %mul3A_458 = vector.broadcast %mul3A_457 : f32 to vector<512x512xf32>
      %mul3A_459 = arith.mulf %mul3A_458, %dot_general3A_453 : vector<512x512xf32>
      %sub3A_460 = arith.subf %add3A_456, %mul3A_459 : vector<512x512xf32>
      %swap3A_461 = arith.constant 0 : index
      %swap3A_462 = arith.constant 2560 : index
      %swap3A_463 = vector.load %arg11[%swap3A_461, %swap3A_462] : memref<512x4096xf32, #tpu.memory_space<vmem>>, vector<512x512xf32>
      tpu.vector_store %arg11[%swap3A_461, %swap3A_462], %sub3A_460 {strides = array<i32>} : memref<512x4096xf32, #tpu.memory_space<vmem>>, vector<512x512xf32>,
      %min3A_464 = arith.minimumf %min3A_442, %sub3A_460 : vector<512x512xf32>
      %get3A_465 = arith.constant 7168 : index
      %get3A_466 = arith.constant 0 : index
      %get3A_467 = vector.load %arg3[%get3A_465, %get3A_466] : memref<8192x256xf32, #tpu.memory_space<vmem>>, vector<512x256xf32>
      %get3A_468 = arith.constant 0 : index
      %get3A_469 = arith.constant 7168 : index
      %get3A_470 = vector.load %arg10[%get3A_468, %get3A_469] : memref<1x8192xf32, #tpu.memory_space<vmem>>, vector<1x512xf32>
      %get3A_471 = vector.shape_cast %get3A_470 : vector<1x512xf32> to vector<512xf32>
      %broadcast_in_dim3A_472 = vector.shape_cast %get3A_471 : vector<512xf32> to vector<1x512xf32>
      %convert_element_type3A_473 = arith.truncf %get3A_467 : vector<512x256xf32> to vector<512x256xbf16>
      %dot_general3A_474 = arith.constant dense<0.000000e+00> : vector<512x512xf32>
      %dot_general3A_475 = tpu.matmul %convert_element_type3A_39, %convert_element_type3A_473, %dot_general3A_474 {dimension_numbers = #tpu.dot_dimension_numbers<[1], [1], [0], [0], [0, 0, 1, 0], [], []>, transpose_lhs_hint = false} : vector<512x256xbf16>, vector<512x256xbf16>, vector<512x512xf32> -> vector<512x512xf32>
      %add3A_476 = vector.broadcast %broadcast_in_dim3A_43 : vector<512x1xf32> to vector<512x512xf32>
      %add3A_477 = vector.broadcast %broadcast_in_dim3A_472 : vector<1x512xf32> to vector<512x512xf32>
      %add3A_478 = arith.addf %add3A_476, %add3A_477 : vector<512x512xf32>
      %mul3A_479 = arith.constant 2.000000e+00 : f32
      %mul3A_480 = vector.broadcast %mul3A_479 : f32 to vector<512x512xf32>
      %mul3A_481 = arith.mulf %mul3A_480, %dot_general3A_475 : vector<512x512xf32>
      %sub3A_482 = arith.subf %add3A_478, %mul3A_481 : vector<512x512xf32>
      %swap3A_483 = arith.constant 0 : index
      %swap3A_484 = arith.constant 3072 : index
      %swap3A_485 = vector.load %arg11[%swap3A_483, %swap3A_484] : memref<512x4096xf32, #tpu.memory_space<vmem>>, vector<512x512xf32>
      tpu.vector_store %arg11[%swap3A_483, %swap3A_484], %sub3A_482 {strides = array<i32>} : memref<512x4096xf32, #tpu.memory_space<vmem>>, vector<512x512xf32>,
      %min3A_486 = arith.minimumf %min3A_464, %sub3A_482 : vector<512x512xf32>
      %get3A_487 = arith.constant 7680 : index
      %get3A_488 = arith.constant 0 : index
      %get3A_489 = vector.load %arg3[%get3A_487, %get3A_488] : memref<8192x256xf32, #tpu.memory_space<vmem>>, vector<512x256xf32>
      %get3A_490 = arith.constant 0 : index
      %get3A_491 = arith.constant 7680 : index
      %get3A_492 = vector.load %arg10[%get3A_490, %get3A_491] : memref<1x8192xf32, #tpu.memory_space<vmem>>, vector<1x512xf32>
      %get3A_493 = vector.shape_cast %get3A_492 : vector<1x512xf32> to vector<512xf32>
      %broadcast_in_dim3A_494 = vector.shape_cast %get3A_493 : vector<512xf32> to vector<1x512xf32>
      %convert_element_type3A_495 = arith.truncf %get3A_489 : vector<512x256xf32> to vector<512x256xbf16>
      %dot_general3A_496 = arith.constant dense<0.000000e+00> : vector<512x512xf32>
      %dot_general3A_497 = tpu.matmul %convert_element_type3A_39, %convert_element_type3A_495, %dot_general3A_496 {dimension_numbers = #tpu.dot_dimension_numbers<[1], [1], [0], [0], [0, 0, 1, 0], [], []>, transpose_lhs_hint = false} : vector<512x256xbf16>, vector<512x256xbf16>, vector<512x512xf32> -> vector<512x512xf32>
      %add3A_498 = vector.broadcast %broadcast_in_dim3A_43 : vector<512x1xf32> to vector<512x512xf32>
      %add3A_499 = vector.broadcast %broadcast_in_dim3A_494 : vector<1x512xf32> to vector<512x512xf32>
      %add3A_500 = arith.addf %add3A_498, %add3A_499 : vector<512x512xf32>
      %mul3A_501 = arith.constant 2.000000e+00 : f32
      %mul3A_502 = vector.broadcast %mul3A_501 : f32 to vector<512x512xf32>
      %mul3A_503 = arith.mulf %mul3A_502, %dot_general3A_497 : vector<512x512xf32>
      %sub3A_504 = arith.subf %add3A_500, %mul3A_503 : vector<512x512xf32>
      %swap3A_505 = arith.constant 0 : index
      %swap3A_506 = arith.constant 3584 : index
      %swap3A_507 = vector.load %arg11[%swap3A_505, %swap3A_506] : memref<512x4096xf32, #tpu.memory_space<vmem>>, vector<512x512xf32>
      tpu.vector_store %arg11[%swap3A_505, %swap3A_506], %sub3A_504 {strides = array<i32>} : memref<512x4096xf32, #tpu.memory_space<vmem>>, vector<512x512xf32>,
      %min3A_508 = arith.minimumf %min3A_486, %sub3A_504 : vector<512x512xf32>
      %reduce_min3A_509 = arith.constant dense<0x7F800000> : vector<512xf32>
      %reduce_min3A_510 = vector.multi_reduction <minimumf>, %min3A_508, %reduce_min3A_509 [1] : vector<512x512xf32> to vector<512xf32>
      %get3A_511 = arith.constant 0 : index
      %get3A_512 = arith.constant 0 : index
      %get3A_513 = vector.load %arg11[%get3A_511, %get3A_512] : memref<512x4096xf32, #tpu.memory_space<vmem>>, vector<512x512xf32>
      %add3A_514 = arith.constant 4.096000e+03 : f32
      %add3A_515 = vector.broadcast %add3A_514 : f32 to vector<512x512xf32>
      %add3A_516 = arith.addf %convert_element_type3A_49, %add3A_515 : vector<512x512xf32>
      %broadcast_in_dim3A_517 = vector.shape_cast %reduce_min3A_510 : vector<512xf32> to vector<512x1xf32>
      %eq3A_518 = vector.broadcast %broadcast_in_dim3A_517 : vector<512x1xf32> to vector<512x512xf32>
      %eq3A_519 = arith.cmpf oeq, %get3A_513, %eq3A_518 : vector<512x512xf32>
      %jit3A_520 = arith.constant 8.192000e+03 : f32
      %broadcast_in_dim3A_521 = vector.broadcast %jit3A_520 : f32 to vector<512x512xf32>
      %select_n3A_522 = arith.select %eq3A_519, %add3A_516, %broadcast_in_dim3A_521 : vector<512x512xi1>, vector<512x512xf32>
      %get3A_523 = arith.constant 0 : index
      %get3A_524 = arith.constant 512 : index
      %get3A_525 = vector.load %arg11[%get3A_523, %get3A_524] : memref<512x4096xf32, #tpu.memory_space<vmem>>, vector<512x512xf32>
      %add3A_526 = arith.constant 4.608000e+03 : f32
      %add3A_527 = vector.broadcast %add3A_526 : f32 to vector<512x512xf32>
      %add3A_528 = arith.addf %convert_element_type3A_49, %add3A_527 : vector<512x512xf32>
      %broadcast_in_dim3A_529 = vector.shape_cast %reduce_min3A_510 : vector<512xf32> to vector<512x1xf32>
      %eq3A_530 = vector.broadcast %broadcast_in_dim3A_529 : vector<512x1xf32> to vector<512x512xf32>
      %eq3A_531 = arith.cmpf oeq, %get3A_525, %eq3A_530 : vector<512x512xf32>
      %jit3A_532 = arith.constant 8.192000e+03 : f32
      %broadcast_in_dim3A_533 = vector.broadcast %jit3A_532 : f32 to vector<512x512xf32>
      %select_n3A_534 = arith.select %eq3A_531, %add3A_528, %broadcast_in_dim3A_533 : vector<512x512xi1>, vector<512x512xf32>
      %min3A_535 = arith.minimumf %select_n3A_522, %select_n3A_534 : vector<512x512xf32>
      %get3A_536 = arith.constant 0 : index
      %get3A_537 = arith.constant 1024 : index
      %get3A_538 = vector.load %arg11[%get3A_536, %get3A_537] : memref<512x4096xf32, #tpu.memory_space<vmem>>, vector<512x512xf32>
      %add3A_539 = arith.constant 5.120000e+03 : f32
      %add3A_540 = vector.broadcast %add3A_539 : f32 to vector<512x512xf32>
      %add3A_541 = arith.addf %convert_element_type3A_49, %add3A_540 : vector<512x512xf32>
      %broadcast_in_dim3A_542 = vector.shape_cast %reduce_min3A_510 : vector<512xf32> to vector<512x1xf32>
      %eq3A_543 = vector.broadcast %broadcast_in_dim3A_542 : vector<512x1xf32> to vector<512x512xf32>
      %eq3A_544 = arith.cmpf oeq, %get3A_538, %eq3A_543 : vector<512x512xf32>
      %jit3A_545 = arith.constant 8.192000e+03 : f32
      %broadcast_in_dim3A_546 = vector.broadcast %jit3A_545 : f32 to vector<512x512xf32>
      %select_n3A_547 = arith.select %eq3A_544, %add3A_541, %broadcast_in_dim3A_546 : vector<512x512xi1>, vector<512x512xf32>
      %min3A_548 = arith.minimumf %min3A_535, %select_n3A_547 : vector<512x512xf32>
      %get3A_549 = arith.constant 0 : index
      %get3A_550 = arith.constant 1536 : index
      %get3A_551 = vector.load %arg11[%get3A_549, %get3A_550] : memref<512x4096xf32, #tpu.memory_space<vmem>>, vector<512x512xf32>
      %add3A_552 = arith.constant 5.632000e+03 : f32
      %add3A_553 = vector.broadcast %add3A_552 : f32 to vector<512x512xf32>
      %add3A_554 = arith.addf %convert_element_type3A_49, %add3A_553 : vector<512x512xf32>
      %broadcast_in_dim3A_555 = vector.shape_cast %reduce_min3A_510 : vector<512xf32> to vector<512x1xf32>
      %eq3A_556 = vector.broadcast %broadcast_in_dim3A_555 : vector<512x1xf32> to vector<512x512xf32>
      %eq3A_557 = arith.cmpf oeq, %get3A_551, %eq3A_556 : vector<512x512xf32>
      %jit3A_558 = arith.constant 8.192000e+03 : f32
      %broadcast_in_dim3A_559 = vector.broadcast %jit3A_558 : f32 to vector<512x512xf32>
      %select_n3A_560 = arith.select %eq3A_557, %add3A_554, %broadcast_in_dim3A_559 : vector<512x512xi1>, vector<512x512xf32>
      %min3A_561 = arith.minimumf %min3A_548, %select_n3A_560 : vector<512x512xf32>
      %get3A_562 = arith.constant 0 : index
      %get3A_563 = arith.constant 2048 : index
      %get3A_564 = vector.load %arg11[%get3A_562, %get3A_563] : memref<512x4096xf32, #tpu.memory_space<vmem>>, vector<512x512xf32>
      %add3A_565 = arith.constant 6.144000e+03 : f32
      %add3A_566 = vector.broadcast %add3A_565 : f32 to vector<512x512xf32>
      %add3A_567 = arith.addf %convert_element_type3A_49, %add3A_566 : vector<512x512xf32>
      %broadcast_in_dim3A_568 = vector.shape_cast %reduce_min3A_510 : vector<512xf32> to vector<512x1xf32>
      %eq3A_569 = vector.broadcast %broadcast_in_dim3A_568 : vector<512x1xf32> to vector<512x512xf32>
      %eq3A_570 = arith.cmpf oeq, %get3A_564, %eq3A_569 : vector<512x512xf32>
      %jit3A_571 = arith.constant 8.192000e+03 : f32
      %broadcast_in_dim3A_572 = vector.broadcast %jit3A_571 : f32 to vector<512x512xf32>
      %select_n3A_573 = arith.select %eq3A_570, %add3A_567, %broadcast_in_dim3A_572 : vector<512x512xi1>, vector<512x512xf32>
      %min3A_574 = arith.minimumf %min3A_561, %select_n3A_573 : vector<512x512xf32>
      %get3A_575 = arith.constant 0 : index
      %get3A_576 = arith.constant 2560 : index
      %get3A_577 = vector.load %arg11[%get3A_575, %get3A_576] : memref<512x4096xf32, #tpu.memory_space<vmem>>, vector<512x512xf32>
      %add3A_578 = arith.constant 6.656000e+03 : f32
      %add3A_579 = vector.broadcast %add3A_578 : f32 to vector<512x512xf32>
      %add3A_580 = arith.addf %convert_element_type3A_49, %add3A_579 : vector<512x512xf32>
      %broadcast_in_dim3A_581 = vector.shape_cast %reduce_min3A_510 : vector<512xf32> to vector<512x1xf32>
      %eq3A_582 = vector.broadcast %broadcast_in_dim3A_581 : vector<512x1xf32> to vector<512x512xf32>
      %eq3A_583 = arith.cmpf oeq, %get3A_577, %eq3A_582 : vector<512x512xf32>
      %jit3A_584 = arith.constant 8.192000e+03 : f32
      %broadcast_in_dim3A_585 = vector.broadcast %jit3A_584 : f32 to vector<512x512xf32>
      %select_n3A_586 = arith.select %eq3A_583, %add3A_580, %broadcast_in_dim3A_585 : vector<512x512xi1>, vector<512x512xf32>
      %min3A_587 = arith.minimumf %min3A_574, %select_n3A_586 : vector<512x512xf32>
      %get3A_588 = arith.constant 0 : index
      %get3A_589 = arith.constant 3072 : index
      %get3A_590 = vector.load %arg11[%get3A_588, %get3A_589] : memref<512x4096xf32, #tpu.memory_space<vmem>>, vector<512x512xf32>
      %add3A_591 = arith.constant 7.168000e+03 : f32
      %add3A_592 = vector.broadcast %add3A_591 : f32 to vector<512x512xf32>
      %add3A_593 = arith.addf %convert_element_type3A_49, %add3A_592 : vector<512x512xf32>
      %broadcast_in_dim3A_594 = vector.shape_cast %reduce_min3A_510 : vector<512xf32> to vector<512x1xf32>
      %eq3A_595 = vector.broadcast %broadcast_in_dim3A_594 : vector<512x1xf32> to vector<512x512xf32>
      %eq3A_596 = arith.cmpf oeq, %get3A_590, %eq3A_595 : vector<512x512xf32>
      %jit3A_597 = arith.constant 8.192000e+03 : f32
      %broadcast_in_dim3A_598 = vector.broadcast %jit3A_597 : f32 to vector<512x512xf32>
      %select_n3A_599 = arith.select %eq3A_596, %add3A_593, %broadcast_in_dim3A_598 : vector<512x512xi1>, vector<512x512xf32>
      %min3A_600 = arith.minimumf %min3A_587, %select_n3A_599 : vector<512x512xf32>
      %get3A_601 = arith.constant 0 : index
      %get3A_602 = arith.constant 3584 : index
      %get3A_603 = vector.load %arg11[%get3A_601, %get3A_602] : memref<512x4096xf32, #tpu.memory_space<vmem>>, vector<512x512xf32>
      %add3A_604 = arith.constant 7.680000e+03 : f32
      %add3A_605 = vector.broadcast %add3A_604 : f32 to vector<512x512xf32>
      %add3A_606 = arith.addf %convert_element_type3A_49, %add3A_605 : vector<512x512xf32>
      %broadcast_in_dim3A_607 = vector.shape_cast %reduce_min3A_510 : vector<512xf32> to vector<512x1xf32>
      %eq3A_608 = vector.broadcast %broadcast_in_dim3A_607 : vector<512x1xf32> to vector<512x512xf32>
      %eq3A_609 = arith.cmpf oeq, %get3A_603, %eq3A_608 : vector<512x512xf32>
      %jit3A_610 = arith.constant 8.192000e+03 : f32
      %broadcast_in_dim3A_611 = vector.broadcast %jit3A_610 : f32 to vector<512x512xf32>
      %select_n3A_612 = arith.select %eq3A_609, %add3A_606, %broadcast_in_dim3A_611 : vector<512x512xi1>, vector<512x512xf32>
      %min3A_613 = arith.minimumf %min3A_600, %select_n3A_612 : vector<512x512xf32>
      %reduce_min3A_614 = arith.constant dense<0x7F800000> : vector<512xf32>
      %reduce_min3A_615 = vector.multi_reduction <minimumf>, %min3A_613, %reduce_min3A_614 [1] : vector<512x512xf32> to vector<512xf32>
      %convert_element_type3A_616 = arith.fptosi %reduce_min3A_615 : vector<512xf32> to vector<512xi32>
      %lt3A_617 = arith.cmpf olt, %reduce_min3A_510, %select_n3A_333 : vector<512xf32>
      %eq3A_618 = arith.cmpf oeq, %reduce_min3A_510, %select_n3A_333 : vector<512xf32>
      %lt3A_619 = arith.cmpi slt, %convert_element_type3A_616, %select_n3A_330 : vector<512xi32>
      %and3A_620 = arith.andi %eq3A_618, %lt3A_619 : vector<512xi1>
      %or3A_621 = arith.ori %lt3A_617, %and3A_620 : vector<512xi1>
      %select_n3A_622 = arith.select %or3A_621, %convert_element_type3A_616, %select_n3A_330 : vector<512xi1>, vector<512xi32>
      %swap3A_623 = arith.constant 0 : index
      %swap3A_624 = arith.constant 0 : index
      %swap3A_625 = vector.load %arg7[%swap3A_623, %swap3A_624] : memref<1x512xi32, #tpu.memory_space<vmem>>, vector<1x512xi32>
      %swap3A_626 = vector.shape_cast %swap3A_625 : vector<1x512xi32> to vector<512xi32>
      %swap3A_627 = vector.shape_cast %select_n3A_622 : vector<512xi32> to vector<1x512xi32>
      tpu.vector_store %arg7[%swap3A_623, %swap3A_624], %swap3A_627 {strides = array<i32>} : memref<1x512xi32, #tpu.memory_space<vmem>>, vector<1x512xi32>,
      %swap3A_628 = arith.constant 0 : index
      %swap3A_629 = arith.constant 0 : index
      %swap3A_630 = arith.constant 0 : index
      %swap3A_631 = vector.load %arg4[%swap3A_628, %swap3A_629, %swap3A_630] : memref<1x1x512xi32, #tpu.memory_space<vmem>>, vector<1x1x512xi32>
      %swap3A_632 = vector.shape_cast %swap3A_631 : vector<1x1x512xi32> to vector<512xi32>
      %swap3A_633 = vector.shape_cast %select_n3A_622 : vector<512xi32> to vector<1x1x512xi32>
      tpu.vector_store %arg4[%swap3A_628, %swap3A_629, %swap3A_630], %swap3A_633 {strides = array<i32>} : memref<1x1x512xi32, #tpu.memory_space<vmem>>, vector<1x1x512xi32>,
    } else {
    }
    %get3A = arith.constant 0 : index
    %get3A_9 = arith.constant 0 : index
    %get3A_10 = vector.load %arg7[%get3A, %get3A_9] : memref<1x512xi32, #tpu.memory_space<vmem>>, vector<1x512xi32>
    %get3A_11 = vector.shape_cast %get3A_10 : vector<1x512xi32> to vector<512xi32>
    %iota3A = tpu.iota {dimensions = array<i32: 1>} : vector<512x2048xi32>
    %mul3A = arith.constant 2048 : i32
    %mul3A_12 = arith.muli %arg1, %mul3A : i32
    %add3A = vector.broadcast %mul3A_12 : i32 to vector<512x2048xi32>
    %add3A_13 = arith.addi %iota3A, %add3A : vector<512x2048xi32>
    %broadcast_in_dim3A = vector.shape_cast %get3A_11 : vector<512xi32> to vector<512x1xi32>
    %eq3A_14 = vector.broadcast %broadcast_in_dim3A : vector<512x1xi32> to vector<512x2048xi32>
    %eq3A_15 = arith.cmpi eq, %eq3A_14, %add3A_13 : vector<512x2048xi32>
    %convert_element_type3A_16 = arith.extui %eq3A_15 : vector<512x2048xi1> to vector<512x2048xi32>
    %convert_element_type3A_17 = arith.sitofp %convert_element_type3A_16 : vector<512x2048xi32> to vector<512x2048xf32>
    %swap3A = arith.constant 0 : index
    %swap3A_18 = arith.constant 0 : index
    %swap3A_19 = vector.load %arg5[%swap3A, %swap3A_18] : memref<512x2048xf32, #tpu.memory_space<vmem>>, vector<512x2048xf32>
    tpu.vector_store %arg5[%swap3A, %swap3A_18], %convert_element_type3A_17 {strides = array<i32>} : memref<512x2048xf32, #tpu.memory_space<vmem>>, vector<512x2048xf32>,
    %reduce_sum3A = arith.constant dense<0.000000e+00> : vector<2048xf32>
    %reduce_sum3A_20 = vector.multi_reduction <add>, %convert_element_type3A_17, %reduce_sum3A [0] : vector<512x2048xf32> to vector<2048xf32>
    %broadcast_in_dim3A_21 = vector.shape_cast %reduce_sum3A_20 : vector<2048xf32> to vector<1x2048xf32>
    %eq3A_22 = arith.constant 0 : i32
    %eq3A_23 = arith.cmpi eq, %arg0, %eq3A_22 : i32
    %convert_element_type3A_24 = arith.extui %eq3A_23 : i1 to i32
    %cond3A_25 = arith.constant 0 : i32
    %cond3A_26 = arith.cmpi ne, %convert_element_type3A_24, %cond3A_25 : i32
    scf.if %cond3A_26 {
      %mul3A_36 = arith.constant 2048 : i32
      %mul3A_37 = arith.muli %arg1, %mul3A_36 : i32
      %swap3A_38 = arith.constant 0 : index
      %swap3A_39 = arith.index_cast %mul3A_37 : i32 to index
      %swap3A_40 = vector.load %arg8[%swap3A_38, %swap3A_39] : memref<1x8192xf32, #tpu.memory_space<vmem>>, vector<1x2048xf32>
      tpu.vector_store %arg8[%swap3A_38, %swap3A_39], %broadcast_in_dim3A_21 {strides = array<i32>} : memref<1x8192xf32, #tpu.memory_space<vmem>>, vector<1x2048xf32>,
    } else {
    }
    %gt3A = arith.constant 0 : i32
    %gt3A_27 = arith.cmpi sgt, %arg0, %gt3A : i32
    %convert_element_type3A_28 = arith.extui %gt3A_27 : i1 to i32
    %cond3A_29 = arith.constant 0 : i32
    %cond3A_30 = arith.cmpi ne, %convert_element_type3A_28, %cond3A_29 : i32
    scf.if %cond3A_30 {
      %mul3A_36 = arith.constant 2048 : i32
      %mul3A_37 = arith.muli %arg1, %mul3A_36 : i32
      %get3A_38 = arith.constant 0 : index
      %get3A_39 = arith.index_cast %mul3A_37 : i32 to index
      %get3A_40 = vector.load %arg8[%get3A_38, %get3A_39] : memref<1x8192xf32, #tpu.memory_space<vmem>>, vector<1x2048xf32>
      %add3A_41 = arith.addf %get3A_40, %broadcast_in_dim3A_21 : vector<1x2048xf32>
      %swap3A_42 = arith.constant 0 : index
      %swap3A_43 = arith.index_cast %mul3A_37 : i32 to index
      %swap3A_44 = vector.load %arg8[%swap3A_42, %swap3A_43] : memref<1x8192xf32, #tpu.memory_space<vmem>>, vector<1x2048xf32>
      tpu.vector_store %arg8[%swap3A_42, %swap3A_43], %add3A_41 {strides = array<i32>} : memref<1x8192xf32, #tpu.memory_space<vmem>>, vector<1x2048xf32>,
    } else {
    }
    %eq3A_31 = arith.constant 15 : i32
    %eq3A_32 = arith.cmpi eq, %arg0, %eq3A_31 : i32
    %convert_element_type3A_33 = arith.extui %eq3A_32 : i1 to i32
    %cond3A_34 = arith.constant 0 : i32
    %cond3A_35 = arith.cmpi ne, %convert_element_type3A_33, %cond3A_34 : i32
    scf.if %cond3A_35 {
      %mul3A_36 = arith.constant 2048 : i32
      %mul3A_37 = arith.muli %arg1, %mul3A_36 : i32
      %get3A_38 = arith.constant 0 : index
      %get3A_39 = arith.index_cast %mul3A_37 : i32 to index
      %get3A_40 = vector.load %arg8[%get3A_38, %get3A_39] : memref<1x8192xf32, #tpu.memory_space<vmem>>, vector<1x2048xf32>
      %mul3A_41 = arith.constant 1.22070313E-4 : f32
      %mul3A_42 = vector.broadcast %mul3A_41 : f32 to vector<1x2048xf32>
      %mul3A_43 = arith.mulf %get3A_40, %mul3A_42 : vector<1x2048xf32>
      %add3A_44 = arith.constant 1.000000e-10 : f32
      %add3A_45 = vector.broadcast %add3A_44 : f32 to vector<1x2048xf32>
      %add3A_46 = arith.addf %mul3A_43, %add3A_45 : vector<1x2048xf32>
      %log3A = math.log %add3A_46 : vector<1x2048xf32>
      %mul3A_47 = arith.mulf %mul3A_43, %log3A : vector<1x2048xf32>
      %reduce_sum3A_48 = vector.shape_cast %mul3A_47 : vector<1x2048xf32> to vector<1x1x2048xf32>
      %reduce_sum3A_49 = arith.constant dense<0.000000e+00> : vector<1xf32>
      %reduce_sum3A_50 = vector.multi_reduction <add>, %reduce_sum3A_48, %reduce_sum3A_49 [1, 2] : vector<1x1x2048xf32> to vector<1xf32>
      %reduce_sum3A_51 = vector.shape_cast %reduce_sum3A_50 : vector<1xf32> to vector<1x1x1xf32>
      %reduce_sum3A_52 = vector.extract %reduce_sum3A_51[0, 0, 0] : f32 from vector<1x1x1xf32>
      %eq3A_53 = arith.constant 0 : i32
      %eq3A_54 = arith.cmpi eq, %arg1, %eq3A_53 : i32
      %convert_element_type3A_55 = arith.extui %eq3A_54 : i1 to i32
      %cond3A_56 = arith.constant 0 : i32
      %cond3A_57 = arith.cmpi ne, %convert_element_type3A_55, %cond3A_56 : i32
      scf.if %cond3A_57 {
        %swap3A_68 = arith.constant 0 : index
        %swap3A_69 = memref.load %arg9[%swap3A_68] : memref<1xf32, #tpu.memory_space<smem>>
        memref.store %reduce_sum3A_52, %arg9[%swap3A_68] : memref<1xf32, #tpu.memory_space<smem>>
      } else {
      }
      %gt3A_58 = arith.constant 0 : i32
      %gt3A_59 = arith.cmpi sgt, %arg1, %gt3A_58 : i32
      %convert_element_type3A_60 = arith.extui %gt3A_59 : i1 to i32
      %cond3A_61 = arith.constant 0 : i32
      %cond3A_62 = arith.cmpi ne, %convert_element_type3A_60, %cond3A_61 : i32
      scf.if %cond3A_62 {
        %get3A_68 = arith.constant 0 : index
        %get3A_69 = memref.load %arg9[%get3A_68] : memref<1xf32, #tpu.memory_space<smem>>
        %add3A_70 = arith.addf %get3A_69, %reduce_sum3A_52 : f32
        %swap3A_71 = arith.constant 0 : index
        %swap3A_72 = memref.load %arg9[%swap3A_71] : memref<1xf32, #tpu.memory_space<smem>>
        memref.store %add3A_70, %arg9[%swap3A_71] : memref<1xf32, #tpu.memory_space<smem>>
      } else {
      }
      %eq3A_63 = arith.constant 3 : i32
      %eq3A_64 = arith.cmpi eq, %arg1, %eq3A_63 : i32
      %convert_element_type3A_65 = arith.extui %eq3A_64 : i1 to i32
      %cond3A_66 = arith.constant 0 : i32
      %cond3A_67 = arith.cmpi ne, %convert_element_type3A_65, %cond3A_66 : i32
      scf.if %cond3A_67 {
        %get3A_68 = arith.constant 0 : index
        %get3A_69 = memref.load %arg9[%get3A_68] : memref<1xf32, #tpu.memory_space<smem>>
        %neg3A = arith.constant 0.000000e+00 : f32
        %neg3A_70 = arith.subf %neg3A, %get3A_69 : f32
        %exp3A = math.exp %neg3A_70 : f32
        %broadcast_in_dim3A_71 = vector.broadcast %exp3A : f32 to vector<1x1xf32>
        %swap3A_72 = arith.constant 0 : index
        %swap3A_73 = arith.constant 0 : index
        %swap3A_74 = vector.load %arg6[%swap3A_72, %swap3A_73] : memref<1x1xf32, #tpu.memory_space<vmem>>, vector<1x1xf32>
        tpu.vector_store %arg6[%swap3A_72, %swap3A_73], %broadcast_in_dim3A_71 {strides = array<i32>} : memref<1x1xf32, #tpu.memory_space<vmem>>, vector<1x1xf32>,
      } else {
      }
    } else {
    }
    return
  }
  func.func @transform_0(%arg0: i32, %arg1: i32) -> (i32, i32) {
    %c0_i32 = arith.constant 0 : i32
    %c0_i32_0 = arith.constant 0 : i32
    return %arg0, %c0_i32 : i32, i32
  }
  func.func @transform_1(%arg0: i32, %arg1: i32) -> (i32, i32) {
    %c0_i32 = arith.constant 0 : i32
    %c0_i32_0 = arith.constant 0 : i32
    %c0_i32_1 = arith.constant 0 : i32
    return %c0_i32, %c0_i32_0 : i32, i32
  }
  func.func @transform_2(%arg0: i32, %arg1: i32) -> (i32, i32, i32) {
    %c0_i32 = arith.constant 0 : i32
    %c0_i32_0 = arith.constant 0 : i32
    %c0_i32_1 = arith.constant 0 : i32
    return %arg0, %c0_i32, %c0_i32_0 : i32, i32, i32
  }
  func.func @transform_3(%arg0: i32, %arg1: i32) -> (i32, i32) {
    %c0_i32 = arith.constant 0 : i32
    return %arg0, %arg1 : i32, i32
  }
  func.func @transform_4(%arg0: i32, %arg1: i32) -> (i32, i32) {
    %c0_i32 = arith.constant 0 : i32
    %c0_i32_0 = arith.constant 0 : i32
    %c0_i32_1 = arith.constant 0 : i32
    return %c0_i32, %c0_i32_0 : i32, i32
  }
}

module attributes {stable_mosaic.version = 14 : i64} {
  func.func @_loss_body(%arg0: i32, %arg1: memref<1024x256xf32, #tpu.memory_space<vmem>>, %arg2: memref<1024x256xf32, #tpu.memory_space<vmem>>, %arg3: memref<1024x256xf32, #tpu.memory_space<vmem>>, %arg4: memref<1x1xf32, #tpu.memory_space<vmem>>, %arg5: memref<1xf32, #tpu.memory_space<smem>>) attributes {dimension_semantics = [#tpu.dimension_semantics<arbitrary>], iteration_bounds = array<i64: 8>, scalar_prefetch = 0 : i64, scratch_operands = 1 : i64, tpu.core_type = #tpu.core_type<tc>, window_params = [{transform_indices = @transform_0, window_bounds = array<i64: 1024, 256>}, {transform_indices = @transform_1, window_bounds = array<i64: 1024, 256>}, {transform_indices = @transform_2, window_bounds = array<i64: 1024, 256>}, {pipeline_mode = #tpu.pipeline_mode<synchronous>, transform_indices = @transform_3, window_bounds = array<i64: 1, 1>}]} {
    %get3A = arith.constant 0 : index
    %get3A_0 = arith.constant 0 : index
    %get3A_1 = vector.load %arg1[%get3A, %get3A_0] : memref<1024x256xf32, #tpu.memory_space<vmem>>, vector<1024x256xf32>
    %get3A_2 = arith.constant 0 : index
    %get3A_3 = arith.constant 0 : index
    %get3A_4 = vector.load %arg2[%get3A_2, %get3A_3] : memref<1024x256xf32, #tpu.memory_space<vmem>>, vector<1024x256xf32>
    %sub3A = arith.subf %get3A_1, %get3A_4 : vector<1024x256xf32>
    %add3A = arith.addf %get3A_4, %sub3A : vector<1024x256xf32>
    %swap3A = arith.constant 0 : index
    %swap3A_5 = arith.constant 0 : index
    %swap3A_6 = vector.load %arg3[%swap3A, %swap3A_5] : memref<1024x256xf32, #tpu.memory_space<vmem>>, vector<1024x256xf32>
    tpu.vector_store %arg3[%swap3A, %swap3A_5], %add3A {strides = array<i32>} : memref<1024x256xf32, #tpu.memory_space<vmem>>, vector<1024x256xf32>,
    %mul3A = arith.mulf %sub3A, %sub3A : vector<1024x256xf32>
    %reduce_sum3A = vector.shape_cast %mul3A : vector<1024x256xf32> to vector<1x1024x256xf32>
    %reduce_sum3A_7 = arith.constant dense<0.000000e+00> : vector<1xf32>
    %reduce_sum3A_8 = vector.multi_reduction <add>, %reduce_sum3A, %reduce_sum3A_7 [1, 2] : vector<1x1024x256xf32> to vector<1xf32>
    %reduce_sum3A_9 = vector.shape_cast %reduce_sum3A_8 : vector<1xf32> to vector<1x1x1xf32>
    %reduce_sum3A_10 = vector.extract %reduce_sum3A_9[0, 0, 0] : f32 from vector<1x1x1xf32>
    %eq3A = arith.constant 0 : i32
    %eq3A_11 = arith.cmpi eq, %arg0, %eq3A : i32
    %convert_element_type3A = arith.extui %eq3A_11 : i1 to i32
    %cond3A = arith.constant 0 : i32
    %cond3A_12 = arith.cmpi ne, %convert_element_type3A, %cond3A : i32
    scf.if %cond3A_12 {
      %swap3A_22 = arith.constant 0 : index
      %swap3A_23 = memref.load %arg5[%swap3A_22] : memref<1xf32, #tpu.memory_space<smem>>
      memref.store %reduce_sum3A_10, %arg5[%swap3A_22] : memref<1xf32, #tpu.memory_space<smem>>
    } else {
    }
    %gt3A = arith.constant 0 : i32
    %gt3A_13 = arith.cmpi sgt, %arg0, %gt3A : i32
    %convert_element_type3A_14 = arith.extui %gt3A_13 : i1 to i32
    %cond3A_15 = arith.constant 0 : i32
    %cond3A_16 = arith.cmpi ne, %convert_element_type3A_14, %cond3A_15 : i32
    scf.if %cond3A_16 {
      %get3A_22 = arith.constant 0 : index
      %get3A_23 = memref.load %arg5[%get3A_22] : memref<1xf32, #tpu.memory_space<smem>>
      %add3A_24 = arith.addf %get3A_23, %reduce_sum3A_10 : f32
      %swap3A_25 = arith.constant 0 : index
      %swap3A_26 = memref.load %arg5[%swap3A_25] : memref<1xf32, #tpu.memory_space<smem>>
      memref.store %add3A_24, %arg5[%swap3A_25] : memref<1xf32, #tpu.memory_space<smem>>
    } else {
    }
    %eq3A_17 = arith.constant 7 : i32
    %eq3A_18 = arith.cmpi eq, %arg0, %eq3A_17 : i32
    %convert_element_type3A_19 = arith.extui %eq3A_18 : i1 to i32
    %cond3A_20 = arith.constant 0 : i32
    %cond3A_21 = arith.cmpi ne, %convert_element_type3A_19, %cond3A_20 : i32
    scf.if %cond3A_21 {
      %get3A_22 = arith.constant 0 : index
      %get3A_23 = memref.load %arg5[%get3A_22] : memref<1xf32, #tpu.memory_space<smem>>
      %div3A = arith.constant 0x4A000000 : f32
      %div3A_24 = arith.divf %get3A_23, %div3A : f32
      %mul3A_25 = arith.constant 2.500000e-01 : f32
      %mul3A_26 = arith.mulf %mul3A_25, %div3A_24 : f32
      %broadcast_in_dim3A = vector.broadcast %mul3A_26 : f32 to vector<1x1xf32>
      %swap3A_27 = arith.constant 0 : index
      %swap3A_28 = arith.constant 0 : index
      %swap3A_29 = vector.load %arg4[%swap3A_27, %swap3A_28] : memref<1x1xf32, #tpu.memory_space<vmem>>, vector<1x1xf32>
      tpu.vector_store %arg4[%swap3A_27, %swap3A_28], %broadcast_in_dim3A {strides = array<i32>} : memref<1x1xf32, #tpu.memory_space<vmem>>, vector<1x1xf32>,
    } else {
    }
    return
  }
  func.func @transform_0(%arg0: i32) -> (i32, i32) {
    %c0_i32 = arith.constant 0 : i32
    %c0_i32_0 = arith.constant 0 : i32
    return %arg0, %c0_i32 : i32, i32
  }
  func.func @transform_1(%arg0: i32) -> (i32, i32) {
    %c0_i32 = arith.constant 0 : i32
    %c0_i32_0 = arith.constant 0 : i32
    return %arg0, %c0_i32 : i32, i32
  }
  func.func @transform_2(%arg0: i32) -> (i32, i32) {
    %c0_i32 = arith.constant 0 : i32
    %c0_i32_0 = arith.constant 0 : i32
    return %arg0, %c0_i32 : i32, i32
  }
  func.func @transform_3(%arg0: i32) -> (i32, i32) {
    %c0_i32 = arith.constant 0 : i32
    %c0_i32_0 = arith.constant 0 : i32
    %c0_i32_1 = arith.constant 0 : i32
    return %c0_i32, %c0_i32_0 : i32, i32
  }
}

</mosaic_0001>

<sc_bundles>
// kernel: kernel.5.cloned.1.call-start
scs
__scs_entry_jumppad:
0x0: {  	(pc) =	sbr.rel $0x88, $3  }
0x1: {  	(tag) =	ssettag $0x0;
	lr =	simm.s32 $0x1  }
0x2: {  	[smem:$0x3F9F] =	sst lr;
	_ =	strace $0xD0000000  }
0x3: {  	_ = 	snop  }
0x4: {  	_ = 	snop  }
0x5: {  	_ = 	snop  }
0x6: {  	_ = 	snop  }
0x7: {  	_ = 	snop  }
__scs_overlays_trampoline_lowered:
0x8: {  	[smem:$0x3FAE] =	sst s0  }
0x9: {  	[smem:$0x3FAF] =	sst s1  }
0xa: {  	[smem:$0x3FB0] =	sst s2  }
0xb: {  	[smem:$0x3FB1] =	sst s3  }
0xc: {  	[smem:$0x3FB2] =	sst s4  }
0xd: {  	[smem:$0x3FB3] =	sst s5  }
0xe: {  	[smem:$0x3FB4] =	sst s6  }
0xf: {  	[smem:$0x3FB5] =	sst s7  }
0x10: {  	[smem:$0x3FB6] =	sst s8  }
0x11: {  	[smem:$0x3FB7] =	sst s9;
	s0 =	simm.s32 @!p0 $0x0  }
0x12: {  	s1 =	sld [smem:$0x3F9D];
	s0 =	simm.s32 @p0 $0x1  }
0x13: {  	[smem:$0x3FB8] =	sst s0;
	s0 =	simm.s32 @!p1 $0x0  }
0x14: {  	s2 =	sld [smem:$0x3F9C];
	s0 =	simm.s32 @p1 $0x1  }
0x15: {  	[smem:$0x3FB9] =	sst s0;
	s0 =	simm.s32 @!p2 $0x0  }
0x16: {  	s3 =	sld [smem:$0x3FDB];
	s0 =	simm.s32 @p2 $0x1  }
0x17: {  	s4 =	simm.s32 $0x1BF5;
	[smem:$0x3FBB] =	sst s0  }
0x18: {  	s0 =	sld [smem:$0x3F9E];
	_ =	swait.ge [sflag:s4], $0x0  }
0x19: {  	s7 =	sld [smem:$0x3F9F]  }
0x1a: {  	s8 =	sadd.s32 $0xFFFFE003, lr  }
0x1b: {  	s9 =	sadd.s32 $0xFFFFFEF7, lr;
	s5 =	simm.s32 $0xFFFFFFFF;
	p2 =	slt.u32 s8, $0xFFFFF086  }
0x1c: {  	p1 =	slt.u32 s9, $0xF7A;
	s5 =	simm.s32 @!p2 $0x0  }
0x1d: {  	s5 =	simm.s32 @p1 $0x1;
	p0 =	seq.s32 s7, s2  }
0x1e: {  	s7 =	smul.u32 @!p0 $0xF7A, s2;
	p2 =	seq.s32 @!p0 s5, $0x0  }
0x1f: {  	s9 =	smul.u32 $0xF7A, s1;
	s8 =	simm.s32 @!p0 $0x1BF5;
	p2 =	por !p2, p0  }
0x20: {  	[sflag:s8] =	ssyncset.s32 @!p0 $0xFFFFF086;
	s6 =	sadd.s32 @!p0 s3, s7;
	s7 =	simm.s32 @!p0 $0x108  }
0x21: {  	s3 =	sadd.s32 s3, s9;
	s6 =	sadd.s32 @!p0 $0x88, s6;
	s7 =	simm.s32 @p2 $0x1082  }
0x22: {  	[simem:s7], [sflag:s8] =	dma.local @!p0 [hbm:s6], $0xF7A  }
0x23: {  	s9 =	sor.u32 $0xD0000000, s2;
	s6 =	simm.s32 $0x108;
	_ =	swait.ge @!p0 [sflag:s8], $0x0  }
0x24: {  	s3 =	sadd.s32 $0x88, s3;
	s6 =	simm.s32 @!p1 $0x1082;
	[sflag:s4] =	ssyncset.s32 $0xFFFFF086  }
0x25: {  	[simem:s6], [sflag:s4] =	dma.local [hbm:s3], $0xF7A  }
0x26: {  	[smem:$0x3F9F] =	sst s1;
	(tag) =	ssettag s2;
	_ =	strace s9  }
0x27: {  	s1 =	sld [smem:$0x3FAF]  }
0x28: {  	s2 =	sld [smem:$0x3FB0]  }
0x29: {  	s4 =	sld [smem:$0x3FB2]  }
0x2a: {  	p0 =	seq.s32 s5, $0x0;
	s5 =	sld [smem:$0x3FB3]  }
0x2b: {  	s6 =	sld [smem:$0x3FB4]  }
0x2c: {  	s7 =	sld [smem:$0x3FB5]  }
0x2d: {  	s3 =	simm.s32 $0x108;
	s8 =	sld [smem:$0x3FB6]  }
0x2e: {  	s3 =	simm.s32 @!p0 $0x1082;
	s9 =	sld [smem:$0x3FB7]  }
0x2f: {  	lr =	sadd.s32 s0, s3;
	s0 =	sld [smem:$0x3FAE]  }
0x30: {  	s3 =	sld [smem:$0x3FB1]  }
0x31: {  	[smem:$0x3FBA] =	sst s10  }
0x32: {  	s10 =	sld [smem:$0x3FB8];
	_ =	sdelay $0x3  }
0x33: {  	p0 =	seq.s32 s10, $0x1;
	s10 =	sld [smem:$0x3FBA];
	_ =	sdelay $0x3  }
0x34: {  	[smem:$0x3FBA] =	sst s10  }
0x35: {  	s10 =	sld [smem:$0x3FB9];
	_ =	sdelay $0x3  }
0x36: {  	p1 =	seq.s32 s10, $0x1;
	s10 =	sld [smem:$0x3FBA];
	_ =	sdelay $0x3  }
0x37: {  	[smem:$0x3FBA] =	sst s10  }
0x38: {  	s10 =	sld [smem:$0x3FBB]  }
0x39: {  	_ = 	snop;
	(pc) =	sbr.ind lr, $3  }
0x3a: {  	_ = 	snop  }
0x3b: {  	_ = 	snop  }
0x3c: {  	p2 =	seq.s32 s10, $0x1;
	s10 =	sld [smem:$0x3FBA]  }
0x3d: {  	_ =	shalt  }
0x3e: {  	_ =	shalt  }
0x3f: {  	_ =	shalt  }
0x40: {  	_ =	shalt  }
0x41: {  	_ =	shalt  }
0x42: {  	_ =	shalt  }
0x43: {  	_ =	shalt  }
0x44: {  	_ =	shalt  }
0x45: {  	_ =	shalt  }
0x46: {  	_ =	shalt  }
0x47: {  	_ =	shalt  }
0x48: {  	_ =	shalt  }
0x49: {  	_ =	shalt  }
0x4a: {  	_ =	shalt  }
0x4b: {  	_ =	shalt  }
0x4c: {  	_ =	shalt  }
0x4d: {  	_ =	shalt  }
0x4e: {  	_ =	shalt  }
0x4f: {  	_ =	shalt  }
0x50: {  	_ =	shalt  }
0x51: {  	_ =	shalt  }
0x52: {  	_ =	shalt  }
0x53: {  	_ =	shalt  }
0x54: {  	_ =	shalt  }
0x55: {  	_ =	shalt  }
0x56: {  	_ =	shalt  }
0x57: {  	_ =	shalt  }
0x58: {  	_ =	shalt  }
0x59: {  	_ =	shalt  }
0x5a: {  	_ =	shalt  }
0x5b: {  	_ =	shalt  }
0x5c: {  	_ =	shalt  }
0x5d: {  	_ =	shalt  }
0x5e: {  	_ =	shalt  }
0x5f: {  	_ =	shalt  }
0x60: {  	_ =	shalt  }
0x61: {  	_ =	shalt  }
0x62: {  	_ =	shalt  }
0x63: {  	_ =	shalt  }
0x64: {  	_ =	shalt  }
0x65: {  	_ =	shalt  }
0x66: {  	_ =	shalt  }
0x67: {  	_ =	shalt  }
0x68: {  	_ =	shalt  }
0x69: {  	_ =	shalt  }
0x6a: {  	_ =	shalt  }
0x6b: {  	_ =	shalt  }
0x6c: {  	_ =	shalt  }
0x6d: {  	_ =	shalt  }
0x6e: {  	_ =	shalt  }
0x6f: {  	_ =	shalt  }
0x70: {  	_ =	shalt  }
0x71: {  	_ =	shalt  }
0x72: {  	_ =	shalt  }
0x73: {  	_ =	shalt  }
0x74: {  	_ =	shalt  }
0x75: {  	_ =	shalt  }
0x76: {  	_ =	shalt  }
0x77: {  	_ =	shalt  }
0x78: {  	_ =	shalt  }
0x79: {  	_ =	shalt  }
0x7a: {  	_ =	shalt  }
0x7b: {  	_ =	shalt  }
0x7c: {  	_ =	shalt  }
0x7d: {  	_ =	shalt  }
0x7e: {  	_ =	shalt  }
0x7f: {  	_ =	shalt  }
0x80: {  	_ =	shalt  }
0x81: {  	_ =	shalt  }
0x82: {  	_ =	shalt  }
0x83: {  	_ =	shalt  }
0x84: {  	_ =	shalt  }
0x85: {  	_ =	shalt  }
0x86: {  	_ =	shalt  }
0x87: {  	_ =	shalt  }
.Lfunc_end0:
.L_simem_size_0:
called_computation_lowered:
.L_overlay_start_0:
0x88: {  	s2 =	sld [smem:$0x3FD9]  }
0x89: {  	s3 =	sld [smem:$0x3FFE];
	_ =	sdelay $0x1  }
0x8a: {  	s1 =	srdreg.scid  }
0x8b: {  	s0 =	sand.u32 $0x1, s1  }
0x8c: {  	s14 =	sshll.u32 s0, $0xA;
	s2 =	sadd.s32 s3, s2  }
0x8d: {  	s2 =	sadd.s32 s2, s14  }
0x8e: {  	[smem:$0x3FC6] =	sst s2  }
0x8f: {  	_ = 	snop  }
0x90: {  	s2 =	sld [smem:$0x3FD0];
	_ =	sdelay $0x2  }
0x91: {  	s4 =	simm.s32 $0xA;
	s5 =	simm.s32 $0x10;
	s15 =	sld [smem:$0x3FC8]  }
0x92: {  	[smem:s5], [sflag:s4] =	dma.local [hbm:s2], $0x1  }
0x93: {  	_ =	swait.eq [sflag:s4], $0x1  }
0x94: {  	[sflag:s4] =	ssyncset.done $0x0  }
0x95: {  	[sflag:s4] =	ssyncadd.s32 $0xFFFFFFFF  }
0x96: {  	s16 =	sld [smem:$0x11];
	(tm) =	ssettm $0x1  }
0x97: {  	s17 =	sld [smem:$0x3FFB];
	_ =	sdelay $0x3  }
0x98: {  	_ =	strace s17  }
0x99: {  	s4 =	sld [smem:$0x3FFC];
	_ =	sdelay $0x3  }
0x9a: {  	_ =	strace s4  }
0x9b: {  	s4 =	sld [smem:$0x3FFD];
	_ =	sdelay $0x3  }
0x9c: {  	_ =	strace s4  }
0x9d: {  	_ =	strace $0x8FFFFFFF  }
0x9e: {  	s18 =	sld [smem:$0x3FDB];
	_ =	sdelay $0x1  }
0x9f: {  	s19 =	simm.s32 $_scs_section_size  }
0xa0: {  	s6 =	simm.s32 $_size__tile_overlayer_lowered;
	s7 =	simm.s32 $_tile_overlayer_lowered  }
0xa1: {  	s22 =	simm.s32 $0x1BFF;
	s21 =	sshll.u32 s7, $0x1;
	s4 =	sadd.s32 s19, s18  }
0xa2: {  	s8 =	simm.s32 $0x0;
	s20 =	sshll.u32 s6, $0x1;
	s6 =	sadd.s32 s21, s4  }
0xa3: {  	[timem:s8], [sflag:s22] =	dma.local [hbm:s6], s20  }
0xa4: {  	_ =	swait.ge [sflag:s22], s20  }
0xa5: {  	s5 =	ssub.s32 $0x0, s20;
	[sflag:s22] =	ssyncset.done $0x0  }
0xa6: {  	[sflag:s22] =	ssyncadd.s32 s5;
	_ =	sdelay $0x1  }
0xa7: {  	s23 =	simm.s32 $0x1B8B  }
0xa8: {  	_ =	swait.ge [sflag:s23], $0x1  }
0xa9: {  	[sflag:s23] =	ssyncset.done $0x0  }
0xaa: {  	s25 =	simm.s32 $0x1B8E;
	s24 =	sld [smem:$0x3FFE];
	[sflag:s23] =	ssyncadd.s32 $0xFFFFFFFF  }
0xab: {  	s26 =	simm.s32 $execute0_lowered;
	[smem:$0x3FD2] =	sst s25  }
0xac: {  	s6 =	sshll.u32 s26, $0x1;
	_ =	strace $0x80000046;
	[dreg:$0x1] =	wrdreg $0xFFFFFFFF  }
0xad: {  	s28 =	simm.s32 $_size_execute0_lowered;
	s4 =	sadd.s32 s4, s6;
	[dreg:$0x0] =	wrdreg $0x0  }
0xae: {  	s6 =	sshll.u32 s28, $0x1;
	[dreg:$0x2] =	wrdreg s4  }
0xaf: {  	[dreg:$0x3] =	wrdreg s6  }
0xb0: {  	[dreg:$0x4] =	wrdreg $0xC0  }
0xb1: {  	_ =	task [dreg:s8], $0x5FFFF  }
0xb2: {  	[dreg:$0x1] =	wrdreg $0xFFFFFFFF  }
0xb3: {  	[dreg:$0x0] =	wrdreg $0x60  }
0xb4: {  	[dreg:$0x2] =	wrdreg s15  }
0xb5: {  	[dreg:$0x3] =	wrdreg s24  }
0xb6: {  	[dreg:$0x4] =	wrdreg s16  }
0xb7: {  	[dreg:$0x5] =	wrdreg $0x9  }
0xb8: {  	_ =	task.clear_ibuf [dreg:s8], $0x6FFFF;
	_ =	strace $0x90000046  }
0xb9: {  	s29 =	simm.s32 $0x9;
	_ =	strace $0x80000048  }
0xba: {  	_ =	swait.ge [sflag:s29], $0x1  }
0xbb: {  	[sflag:s29] =	ssyncadd.s32 $0xFFFFFFFF  }
0xbc: {  	_ =	strace $0x90000048  }
0xbd: {  	_ =	sfence  }
0xbe: {  	s30 =	sld [smem:$0x0];
	_ =	sdelay $0x2  }
0xbf: {  	s31 =	sshll.u32 s1, $0xD;
	s1 =	sshrl.u32 s1, $0x2  }
0xc0: {  	s3 =	sand.u32 $0x4000, s31;
	s1 =	sadd.s32 s1, s30  }
0xc1: {  	s0 =	sor.u32 s3, s0;
	s1 =	sshll.u32 s1, $0x11  }
0xc2: {  	s0 =	sor.u32 s1, s0  }
0xc3: {  	s0 =	sadd.s32 $0x8F2B, s0  }
0xc4: {  	[sflag:s0] =	ssyncadd.remote.s32 $0x1  }
0xc5: {  	_ =	sfence.sel $0xFFFF  }
0xc6: {  	[dreg:$0x0] =	wrdreg $0xFFFFFFFF;
	(pc) =	sbr.abs _section_cstart, $3  }
0xc7: {  	[dreg:$0x1] =	wrdreg $0xFFFFFFFF  }
0xc8: {  	_ =	task.clear_ibuf [dreg:s8], $0x2FFFF;
	_ =	strace $0x9FFFFFFF  }
0xc9: {  	(tm) =	ssettm $0x7FFFFFFF  }
tec
execute0_lowered:
.L_overlay_start_1:
0x0: {  	(tag) =	ssettag $0x1  }
0x1: {  	s1 =	rddreg [dreg:$0x0]  }
0x2: {  	s4 =	rddreg [dreg:$0x1]  }
0x3: {  	s5 =	rddreg [dreg:$0x2]  }
0x4: {  	s0 =	rddreg [dreg:$0x3];
	s6 =	srdreg.scid  }
0x5: {  	s3 =	simm.s32 $0x0;
	s2 =	stileid.u32;
	s10 =	simm.s32 $0x900  }
0x6: {  	s11 =	simm.s32 $0x1100;
	s12 =	simm.s32 $0x1900;
	s13 =	simm.s32 $0x2100  }
0x7: {  	s14 =	simm.s32 $0x2900;
	s15 =	simm.s32 $0x3100;
	s16 =	simm.s32 $0x3900  }
0x8: {  	s17 =	simm.s32 $0x4100;
	s18 =	simm.s32 $0x4900;
	s19 =	simm.s32 $0x5100  }
0x9: {  	s20 =	simm.s32 $0x5900;
	s21 =	simm.s32 $0x6100;
	s22 =	simm.s32 $0x6900  }
0xa: {  	s23 =	simm.s32 $0x7100;
	s24 =	simm.s32 $0x7900;
	s6 =	sand.u32 $0x1, s6  }
0xb: {  	s25 =	simm.s32 $0x1;
	s7 =	sshll.u32 s2, $0x9;
	s8 =	sshll.u32 s6, $0x8  }
0xc: {  	[smem:$0x7FF] =	sst s3;
	s6 =	ssub.s32 $0x2, s6;
	s7 =	sor.u32 s8, s7  }
0xd: {  	_ =	strace $0x80000047;
	s9 =	sshrl.u32 s6, $0x1;
	s8 =	sshrl.u32 s7, $0x3  }
0xe: {  	v2 =	vlaneseq.u32;
	s7 =	sshll.u32 s7, $0x5;
	s9 =	ssub.s32 s6, s9;
	s8 =	sadd.s32 s8, s4  }
0xf: {  	vm0 =	vmmov $0xffff;
	v1 =	vshrl.u32 v2, $0x3;
	s4 =	sadd.s32 s5, s7;
	s7 =	smax.u32 s9, $0x1;
	s9 =	simm.s32 $0x100  }
0x10: {  	v0 =	vand.u32 $0x7, v2;
	v2 =	vor.u32 $0x8, v2;
	v1 =	vmul.u32 $0x8, v1;
	s5 =	sadd.s32 $0x1000, s8;
	s6 =	sadd.s32 $0x1000, s4;
	s8 =	simm.s32 $0x2  }
.LBB2_1:
0x11: {  	[tilespmem:s3], [sflag:$0x2] =	stream.linear.gather [hbm4b:s5+s3], $0x100, $0x38;
	[tilespmem:$0x8100] =	vst v63  }
0x12: {  	_ =	swait.ge [sflag:s8], $0x100  }
0x13: {  	[sflag:s8] =	ssyncset.done $0x0  }
0x14: {  	[sflag:s8] =	ssyncadd.s32 $0xFFFFFF00  }
0x15: {  	v3 =	vld [tilespmem:$0x0];
	_ =	sdelay $0x4  }
0x16: {  	v4 =	vshll.u32 v3, $0x1  }
0x17: {  	v3 =	vand.u32 $0x7, v3;
	v4 =	vand.u32 $0xFFFFFFF0, v4  }
0x18: {  	v3 =	vor.u32 v3, v4  }
0x19: {  	v4 =	vperm.xlane v3, v0;
	_ =	sdelay $0x1  }
0x1a: {  	v3 =	vperm.xlane v3, v2;
	v4 =	vadd.s32 v1, v4;
	_ =	sdelay $0x1  }
0x1b: {  	v3 =	vadd.s32 v1, v3;
	_ =	sdelay $0x2  }
0x1c: {  	[tilespmem:s9], [sflag:$0x1] =	stream.indirect_vreg.gather [hbm4b:s1+s3], $0x80, v4, vm0, $0xb8;
	[tilespmem:$0x8100] =	vst v63  }
0x1d: {  	_ = 	snop  }
0x1e: {  	[tilespmem:s10], [sflag:$0x1] =	stream.indirect_vreg.gather [hbm4b:s1+s3], $0x80, v3, vm0, $0xb8;
	[tilespmem:$0x8100] =	vst v63  }
0x1f: {  	v3 =	vld [tilespmem:$0x10];
	_ =	sdelay $0x4  }
0x20: {  	v49 =	vshll.u32 v3, $0x1  }
0x21: {  	v3 =	vand.u32 $0x7, v3;
	v4 =	vand.u32 $0xFFFFFFF0, v49  }
0x22: {  	v3 =	vor.u32 v3, v4  }
0x23: {  	v4 =	vperm.xlane v3, v0;
	_ =	sdelay $0x1  }
0x24: {  	v3 =	vperm.xlane v3, v2;
	v4 =	vadd.s32 v1, v4;
	_ =	sdelay $0x1  }
0x25: {  	v3 =	vadd.s32 v1, v3;
	_ =	sdelay $0x2  }
0x26: {  	[tilespmem:s11], [sflag:$0x1] =	stream.indirect_vreg.gather [hbm4b:s1+s3], $0x80, v4, vm0, $0xb8;
	[tilespmem:$0x8100] =	vst v63  }
0x27: {  	_ = 	snop  }
0x28: {  	[tilespmem:s12], [sflag:$0x1] =	stream.indirect_vreg.gather [hbm4b:s1+s3], $0x80, v3, vm0, $0xb8;
	[tilespmem:$0x8100] =	vst v63  }
0x29: {  	v3 =	vld [tilespmem:$0x20];
	_ =	sdelay $0x4  }
0x2a: {  	v50 =	vshll.u32 v3, $0x1  }
0x2b: {  	v3 =	vand.u32 $0x7, v3;
	v4 =	vand.u32 $0xFFFFFFF0, v50  }
0x2c: {  	v3 =	vor.u32 v3, v4  }
0x2d: {  	v4 =	vperm.xlane v3, v0;
	_ =	sdelay $0x1  }
0x2e: {  	v3 =	vperm.xlane v3, v2;
	v4 =	vadd.s32 v1, v4;
	_ =	sdelay $0x1  }
0x2f: {  	v3 =	vadd.s32 v1, v3;
	_ =	sdelay $0x2  }
0x30: {  	[tilespmem:s13], [sflag:$0x1] =	stream.indirect_vreg.gather [hbm4b:s1+s3], $0x80, v4, vm0, $0xb8;
	[tilespmem:$0x8100] =	vst v63  }
0x31: {  	_ = 	snop  }
0x32: {  	[tilespmem:s14], [sflag:$0x1] =	stream.indirect_vreg.gather [hbm4b:s1+s3], $0x80, v3, vm0, $0xb8;
	[tilespmem:$0x8100] =	vst v63  }
0x33: {  	v3 =	vld [tilespmem:$0x30];
	_ =	sdelay $0x4  }
0x34: {  	v51 =	vshll.u32 v3, $0x1  }
0x35: {  	v3 =	vand.u32 $0x7, v3;
	v4 =	vand.u32 $0xFFFFFFF0, v51  }
0x36: {  	v3 =	vor.u32 v3, v4  }
0x37: {  	v4 =	vperm.xlane v3, v0;
	_ =	sdelay $0x1  }
0x38: {  	v3 =	vperm.xlane v3, v2;
	v4 =	vadd.s32 v1, v4;
	_ =	sdelay $0x1  }
0x39: {  	v3 =	vadd.s32 v1, v3;
	_ =	sdelay $0x2  }
0x3a: {  	[tilespmem:s15], [sflag:$0x1] =	stream.indirect_vreg.gather [hbm4b:s1+s3], $0x80, v4, vm0, $0xb8;
	[tilespmem:$0x8100] =	vst v63  }
0x3b: {  	_ = 	snop  }
0x3c: {  	[tilespmem:s16], [sflag:$0x1] =	stream.indirect_vreg.gather [hbm4b:s1+s3], $0x80, v3, vm0, $0xb8;
	[tilespmem:$0x8100] =	vst v63  }
0x3d: {  	v3 =	vld [tilespmem:$0x40];
	_ =	sdelay $0x4  }
0x3e: {  	v52 =	vshll.u32 v3, $0x1  }
0x3f: {  	v3 =	vand.u32 $0x7, v3;
	v4 =	vand.u32 $0xFFFFFFF0, v52  }
0x40: {  	v3 =	vor.u32 v3, v4  }
0x41: {  	v4 =	vperm.xlane v3, v0;
	_ =	sdelay $0x1  }
0x42: {  	v3 =	vperm.xlane v3, v2;
	v4 =	vadd.s32 v1, v4;
	_ =	sdelay $0x1  }
0x43: {  	v3 =	vadd.s32 v1, v3;
	_ =	sdelay $0x2  }
0x44: {  	[tilespmem:s17], [sflag:$0x1] =	stream.indirect_vreg.gather [hbm4b:s1+s3], $0x80, v4, vm0, $0xb8;
	[tilespmem:$0x8100] =	vst v63  }
0x45: {  	_ = 	snop  }
0x46: {  	[tilespmem:s18], [sflag:$0x1] =	stream.indirect_vreg.gather [hbm4b:s1+s3], $0x80, v3, vm0, $0xb8;
	[tilespmem:$0x8100] =	vst v63  }
0x47: {  	v3 =	vld [tilespmem:$0x50];
	_ =	sdelay $0x4  }
0x48: {  	v53 =	vshll.u32 v3, $0x1  }
0x49: {  	v3 =	vand.u32 $0x7, v3;
	v4 =	vand.u32 $0xFFFFFFF0, v53  }
0x4a: {  	v3 =	vor.u32 v3, v4  }
0x4b: {  	v4 =	vperm.xlane v3, v0;
	_ =	sdelay $0x1  }
0x4c: {  	v3 =	vperm.xlane v3, v2;
	v4 =	vadd.s32 v1, v4;
	_ =	sdelay $0x1  }
0x4d: {  	v3 =	vadd.s32 v1, v3;
	_ =	sdelay $0x2  }
0x4e: {  	[tilespmem:s19], [sflag:$0x1] =	stream.indirect_vreg.gather [hbm4b:s1+s3], $0x80, v4, vm0, $0xb8;
	[tilespmem:$0x8100] =	vst v63  }
0x4f: {  	_ = 	snop  }
0x50: {  	[tilespmem:s20], [sflag:$0x1] =	stream.indirect_vreg.gather [hbm4b:s1+s3], $0x80, v3, vm0, $0xb8;
	[tilespmem:$0x8100] =	vst v63  }
0x51: {  	v3 =	vld [tilespmem:$0x60];
	_ =	sdelay $0x4  }
0x52: {  	v54 =	vshll.u32 v3, $0x1  }
0x53: {  	v3 =	vand.u32 $0x7, v3;
	v4 =	vand.u32 $0xFFFFFFF0, v54  }
0x54: {  	v3 =	vor.u32 v3, v4  }
0x55: {  	v4 =	vperm.xlane v3, v0;
	_ =	sdelay $0x1  }
0x56: {  	v3 =	vperm.xlane v3, v2;
	v4 =	vadd.s32 v1, v4;
	_ =	sdelay $0x1  }
0x57: {  	v3 =	vadd.s32 v1, v3;
	_ =	sdelay $0x2  }
0x58: {  	[tilespmem:s21], [sflag:$0x1] =	stream.indirect_vreg.gather [hbm4b:s1+s3], $0x80, v4, vm0, $0xb8;
	[tilespmem:$0x8100] =	vst v63  }
0x59: {  	_ = 	snop  }
0x5a: {  	[tilespmem:s22], [sflag:$0x1] =	stream.indirect_vreg.gather [hbm4b:s1+s3], $0x80, v3, vm0, $0xb8;
	[tilespmem:$0x8100] =	vst v63  }
0x5b: {  	v3 =	vld [tilespmem:$0x70];
	_ =	sdelay $0x4  }
0x5c: {  	v55 =	vshll.u32 v3, $0x1  }
0x5d: {  	v3 =	vand.u32 $0x7, v3;
	v4 =	vand.u32 $0xFFFFFFF0, v55  }
0x5e: {  	v3 =	vor.u32 v3, v4  }
0x5f: {  	v4 =	vperm.xlane v3, v0;
	_ =	sdelay $0x1  }
0x60: {  	v3 =	vperm.xlane v3, v2;
	v4 =	vadd.s32 v1, v4;
	_ =	sdelay $0x1  }
0x61: {  	v3 =	vadd.s32 v1, v3;
	_ =	sdelay $0x2  }
0x62: {  	[tilespmem:s23], [sflag:$0x1] =	stream.indirect_vreg.gather [hbm4b:s1+s3], $0x80, v4, vm0, $0xb8;
	[tilespmem:$0x8100] =	vst v63  }
0x63: {  	_ = 	snop  }
0x64: {  	[tilespmem:s24], [sflag:$0x1] =	stream.indirect_vreg.gather [hbm4b:s1+s3], $0x80, v3, vm0, $0xb8;
	[tilespmem:$0x8100] =	vst v63  }
0x65: {  	_ =	swait.ge [sflag:s25], $0x8000  }
0x66: {  	[sflag:s25] =	ssyncset.done $0x0  }
0x67: {  	[sflag:s25] =	ssyncadd.s32 $0xFFFF8000  }
0x68: {  	[hbm4b:s4+s3] =	stream.linear.scatter [tilespmem:s9], [sflag:$0x2], $0x8000, $0x38;
	[tilespmem:$0x8100] =	vst v63  }
0x69: {  	_ =	swait.ge [sflag:s8], $0x8000  }
0x6a: {  	[sflag:s8] =	ssyncset.done $0x0  }
0x6b: {  	[sflag:s8] =	ssyncadd.s32 $0xFFFF8000  }
0x6c: {  	v3 =	vld [tilespmem:$0x80];
	_ =	sdelay $0x4  }
0x6d: {  	v56 =	vshll.u32 v3, $0x1  }
0x6e: {  	v3 =	vand.u32 $0x7, v3;
	v4 =	vand.u32 $0xFFFFFFF0, v56  }
0x6f: {  	v3 =	vor.u32 v3, v4  }
0x70: {  	v4 =	vperm.xlane v3, v0;
	_ =	sdelay $0x1  }
0x71: {  	v3 =	vperm.xlane v3, v2;
	v4 =	vadd.s32 v1, v4;
	_ =	sdelay $0x1  }
0x72: {  	v3 =	vadd.s32 v1, v3;
	_ =	sdelay $0x2  }
0x73: {  	[tilespmem:s9], [sflag:$0x1] =	stream.indirect_vreg.gather [hbm4b:s1+s3], $0x80, v4, vm0, $0xb8;
	[tilespmem:$0x8100] =	vst v63  }
0x74: {  	_ = 	snop  }
0x75: {  	[tilespmem:s10], [sflag:$0x1] =	stream.indirect_vreg.gather [hbm4b:s1+s3], $0x80, v3, vm0, $0xb8;
	[tilespmem:$0x8100] =	vst v63  }
0x76: {  	v3 =	vld [tilespmem:$0x90];
	_ =	sdelay $0x4  }
0x77: {  	v57 =	vshll.u32 v3, $0x1  }
0x78: {  	v3 =	vand.u32 $0x7, v3;
	v4 =	vand.u32 $0xFFFFFFF0, v57  }
0x79: {  	v3 =	vor.u32 v3, v4  }
0x7a: {  	v4 =	vperm.xlane v3, v0;
	_ =	sdelay $0x1  }
0x7b: {  	v3 =	vperm.xlane v3, v2;
	v4 =	vadd.s32 v1, v4;
	_ =	sdelay $0x1  }
0x7c: {  	v3 =	vadd.s32 v1, v3;
	_ =	sdelay $0x2  }
0x7d: {  	[tilespmem:s11], [sflag:$0x1] =	stream.indirect_vreg.gather [hbm4b:s1+s3], $0x80, v4, vm0, $0xb8;
	[tilespmem:$0x8100] =	vst v63  }
0x7e: {  	_ = 	snop  }
0x7f: {  	[tilespmem:s12], [sflag:$0x1] =	stream.indirect_vreg.gather [hbm4b:s1+s3], $0x80, v3, vm0, $0xb8;
	[tilespmem:$0x8100] =	vst v63  }
0x80: {  	v3 =	vld [tilespmem:$0xA0];
	_ =	sdelay $0x4  }
0x81: {  	v58 =	vshll.u32 v3, $0x1  }
0x82: {  	v3 =	vand.u32 $0x7, v3;
	v4 =	vand.u32 $0xFFFFFFF0, v58  }
0x83: {  	v3 =	vor.u32 v3, v4  }
0x84: {  	v4 =	vperm.xlane v3, v0;
	_ =	sdelay $0x1  }
0x85: {  	v3 =	vperm.xlane v3, v2;
	v4 =	vadd.s32 v1, v4;
	_ =	sdelay $0x1  }
0x86: {  	v3 =	vadd.s32 v1, v3;
	_ =	sdelay $0x2  }
0x87: {  	[tilespmem:s13], [sflag:$0x1] =	stream.indirect_vreg.gather [hbm4b:s1+s3], $0x80, v4, vm0, $0xb8;
	[tilespmem:$0x8100] =	vst v63  }
0x88: {  	_ = 	snop  }
0x89: {  	[tilespmem:s14], [sflag:$0x1] =	stream.indirect_vreg.gather [hbm4b:s1+s3], $0x80, v3, vm0, $0xb8;
	[tilespmem:$0x8100] =	vst v63  }
0x8a: {  	v3 =	vld [tilespmem:$0xB0];
	_ =	sdelay $0x4  }
0x8b: {  	v59 =	vshll.u32 v3, $0x1  }
0x8c: {  	v3 =	vand.u32 $0x7, v3;
	v4 =	vand.u32 $0xFFFFFFF0, v59  }
0x8d: {  	v3 =	vor.u32 v3, v4  }
0x8e: {  	v4 =	vperm.xlane v3, v0;
	_ =	sdelay $0x1  }
0x8f: {  	v3 =	vperm.xlane v3, v2;
	v4 =	vadd.s32 v1, v4;
	_ =	sdelay $0x1  }
0x90: {  	v3 =	vadd.s32 v1, v3;
	_ =	sdelay $0x2  }
0x91: {  	[tilespmem:s15], [sflag:$0x1] =	stream.indirect_vreg.gather [hbm4b:s1+s3], $0x80, v4, vm0, $0xb8;
	[tilespmem:$0x8100] =	vst v63  }
0x92: {  	_ = 	snop  }
0x93: {  	[tilespmem:s16], [sflag:$0x1] =	stream.indirect_vreg.gather [hbm4b:s1+s3], $0x80, v3, vm0, $0xb8;
	[tilespmem:$0x8100] =	vst v63  }
0x94: {  	v3 =	vld [tilespmem:$0xC0];
	_ =	sdelay $0x4  }
0x95: {  	v60 =	vshll.u32 v3, $0x1  }
0x96: {  	v3 =	vand.u32 $0x7, v3;
	v4 =	vand.u32 $0xFFFFFFF0, v60  }
0x97: {  	v3 =	vor.u32 v3, v4  }
0x98: {  	v4 =	vperm.xlane v3, v0;
	_ =	sdelay $0x1  }
0x99: {  	v3 =	vperm.xlane v3, v2;
	v4 =	vadd.s32 v1, v4;
	_ =	sdelay $0x1  }
0x9a: {  	v3 =	vadd.s32 v1, v3;
	_ =	sdelay $0x2  }
0x9b: {  	[tilespmem:s17], [sflag:$0x1] =	stream.indirect_vreg.gather [hbm4b:s1+s3], $0x80, v4, vm0, $0xb8;
	[tilespmem:$0x8100] =	vst v63  }
0x9c: {  	_ = 	snop  }
0x9d: {  	[tilespmem:s18], [sflag:$0x1] =	stream.indirect_vreg.gather [hbm4b:s1+s3], $0x80, v3, vm0, $0xb8;
	[tilespmem:$0x8100] =	vst v63  }
0x9e: {  	v3 =	vld [tilespmem:$0xD0];
	_ =	sdelay $0x4  }
0x9f: {  	v61 =	vshll.u32 v3, $0x1  }
0xa0: {  	v3 =	vand.u32 $0x7, v3;
	v4 =	vand.u32 $0xFFFFFFF0, v61  }
0xa1: {  	v3 =	vor.u32 v3, v4  }
0xa2: {  	v4 =	vperm.xlane v3, v0;
	_ =	sdelay $0x1  }
0xa3: {  	v3 =	vperm.xlane v3, v2;
	v4 =	vadd.s32 v1, v4;
	_ =	sdelay $0x1  }
0xa4: {  	v3 =	vadd.s32 v1, v3;
	_ =	sdelay $0x2  }
0xa5: {  	[tilespmem:s19], [sflag:$0x1] =	stream.indirect_vreg.gather [hbm4b:s1+s3], $0x80, v4, vm0, $0xb8;
	[tilespmem:$0x8100] =	vst v63  }
0xa6: {  	_ = 	snop  }
0xa7: {  	[tilespmem:s20], [sflag:$0x1] =	stream.indirect_vreg.gather [hbm4b:s1+s3], $0x80, v3, vm0, $0xb8;
	[tilespmem:$0x8100] =	vst v63  }
0xa8: {  	v3 =	vld [tilespmem:$0xE0];
	_ =	sdelay $0x4  }
0xa9: {  	v62 =	vshll.u32 v3, $0x1  }
0xaa: {  	v3 =	vand.u32 $0x7, v3;
	v4 =	vand.u32 $0xFFFFFFF0, v62  }
0xab: {  	v3 =	vor.u32 v3, v4  }
0xac: {  	v4 =	vperm.xlane v3, v0;
	_ =	sdelay $0x1  }
0xad: {  	v3 =	vperm.xlane v3, v2;
	v4 =	vadd.s32 v1, v4;
	_ =	sdelay $0x1  }
0xae: {  	v3 =	vadd.s32 v1, v3;
	_ =	sdelay $0x2  }
0xaf: {  	[tilespmem:s21], [sflag:$0x1] =	stream.indirect_vreg.gather [hbm4b:s1+s3], $0x80, v4, vm0, $0xb8;
	[tilespmem:$0x8100] =	vst v63  }
0xb0: {  	_ = 	snop  }
0xb1: {  	[tilespmem:s22], [sflag:$0x1] =	stream.indirect_vreg.gather [hbm4b:s1+s3], $0x80, v3, vm0, $0xb8;
	[tilespmem:$0x8100] =	vst v63  }
0xb2: {  	v3 =	vld [tilespmem:$0xF0];
	_ =	sdelay $0x4  }
0xb3: {  	v63 =	vshll.u32 v3, $0x1  }
0xb4: {  	v3 =	vand.u32 $0x7, v3;
	v4 =	vand.u32 $0xFFFFFFF0, v63  }
0xb5: {  	v3 =	vor.u32 v3, v4  }
0xb6: {  	v4 =	vperm.xlane v3, v0;
	_ =	sdelay $0x1  }
0xb7: {  	v3 =	vperm.xlane v3, v2;
	v4 =	vadd.s32 v1, v4;
	_ =	sdelay $0x1  }
0xb8: {  	v3 =	vadd.s32 v1, v3;
	_ =	sdelay $0x2  }
0xb9: {  	[tilespmem:s23], [sflag:$0x1] =	stream.indirect_vreg.gather [hbm4b:s1+s3], $0x80, v4, vm0, $0xb8;
	[tilespmem:$0x8100] =	vst v63  }
0xba: {  	_ = 	snop  }
0xbb: {  	[tilespmem:s24], [sflag:$0x1] =	stream.indirect_vreg.gather [hbm4b:s1+s3], $0x80, v3, vm0, $0xb8;
	[tilespmem:$0x8100] =	vst v63  }
0xbc: {  	_ =	swait.ge [sflag:s25], $0x8000  }
0xbd: {  	p0 =	sne.s32 s7, $0x1;
	[sflag:s25] =	ssyncset.done $0x0  }
.Ltmp0:
0xbe: {  	[sflag:s25] =	ssyncadd.s32 $0xFFFF8000;
	(pc) =	sbr.rel @p0 .LBB2_1-.Ltmp0, $4  }
0xbf: {  	[hbm4b:s6+s3] =	stream.linear.scatter [tilespmem:s9], [sflag:$0x2], $0x8000, $0x38;
	[tilespmem:$0x8100] =	vst v63  }
0xc0: {  	_ =	swait.ge [sflag:s8], $0x8000  }
0xc1: {  	[sflag:s8] =	ssyncset.done $0x0  }
0xc2: {  	s7 =	sadd.s32 $0xFFFFFFFF, s7;
	[sflag:s8] =	ssyncadd.s32 $0xFFFF8000  }
0xc3: {  	_ =	sfence.sel $0x180000  }
0xc4: {  	[bflag:$0x0] =	sbarrier.arrive $0xFFFF  }
0xc5: {  	p0 =	sne.s32 s2, $0x0;
	_ =	strace $0x90000047  }
0xc6: {  	s0 =	sadd.s32 @!p0 $0x100000, s0;
	[bflag:$0x2] =	sbarrier.arrive $0xFFFF  }
0xc7: {  	[sflag:s0] =	ssyncadd.tile.s32 @!p0 $0x1;
	_ =	shalt  }
.Lfunc_end2:
_tile_overlayer_lowered:
.L_overlay_start_2:
0xc8: {  	(tag) =	ssettag $0x2  }
0xc9: {  	s0 =	rddreg [dreg:$0x0];
	s2 =	stileid.u32  }
0xca: {  	s1 =	rddreg [dreg:$0x1];
	p0 =	sne.s32 s2, $0x0  }
0xcb: {  	s3 =	rddreg [dreg:$0x2];
	[bflag:$0x3] =	sbarrier.arrive $0xFFFF;
	s2 =	simm.s32 @!p0 $0x1C02  }
0xcc: {  	[timem:s3], [sflag:s2] =	dma.local @!p0 [hbm:s0], s1  }
0xcd: {  	s0 =	simm.s32 @!p0 $0x2  }
0xce: {  	_ =	swait.ge @!p0 [sflag:s0], s1  }
0xcf: {  	s1 =	ssub.s32 @!p0 $0x0, s1;
	[sflag:s0] =	ssyncset.done @!p0 $0x0  }
0xd0: {  	[sflag:s0] =	ssyncadd.s32 @!p0 s1  }
0xd1: {  	[bflag:$0x3] =	sbarrier.arrive $0xFFFF  }
0xd2: {  	_ =	shalt  }

</sc_bundles>
